<compile_context>
chip_gen: v7x
topology: tpu7x:2x2x1
jax: 0.10.2.dev20260603
libtpu: 0.0.44.dev20260713+nightly
codegen_flags: <defaults>
</compile_context>

<pallas_src>
import jax
import jax.numpy as jnp
import numpy as np
from jax import lax
from jax.experimental import pallas as pl
from jax.experimental.pallas import tpu as pltpu
from jax.experimental.pallas import tpu_sc as plsc

N = 10000
E = 320000
CH = 128
EMB = 64

NPAD = 10240
CHUNK = 128
NBUF = 2
NTILES = 32
CPT = 80
NCHUNKS = NTILES * CPT
EPAD = NCHUNKS * CHUNK
NGRP = CPT // NBUF
ROWS_PT = NPAD // 16


def _mesh():
    return plsc.VectorSubcoreMesh(core_axis_name="c", subcore_axis_name="s")



def _deg_body(dep_hbm, zeros_hbm, out0_hbm, out1_hbm, deg_sh, slab, onesb,
              ssem):
    cid = lax.axis_index("c")
    sid = lax.axis_index("s")
    r0 = sid * ROWS_PT
    pltpu.sync_copy(zeros_hbm.at[pl.ds(r0, ROWS_PT)],
                    deg_sh.at[pl.ds(r0, ROWS_PT)])
    base = (cid * 16 + sid) * CPT
    pltpu.sync_copy(dep_hbm.at[pl.ds(base, CPT)], slab)
    for i in range(CHUNK // 16):
        onesb[pl.ds(i * 16, 16)] = jnp.full((16,), 1.0, jnp.float32)
    plsc.subcore_barrier()

    def fire(c, carry):
        pltpu.async_copy(onesb, deg_sh.at[slab.at[c]], ssem, add=True)
        return carry

    lax.fori_loop(0, CPT, fire, 0)

    def drain(c, carry):
        pltpu.make_async_copy(onesb, deg_sh.at[slab.at[0]], ssem).wait()
        return carry

    lax.fori_loop(0, CPT, drain, 0)
    plsc.subcore_barrier()

    @pl.when(cid == 0)
    def _():
        pltpu.sync_copy(deg_sh.at[pl.ds(r0, ROWS_PT)],
                        out0_hbm.at[pl.ds(r0, ROWS_PT)])

    @pl.when(cid == 1)
    def _():
        pltpu.sync_copy(deg_sh.at[pl.ds(r0, ROWS_PT)],
                        out1_hbm.at[pl.ds(r0, ROWS_PT)])


def _sc_deg(dep, zeros_n):
    return pl.kernel(
        _deg_body,
        out_type=[jax.ShapeDtypeStruct((NPAD,), jnp.float32),
                  jax.ShapeDtypeStruct((NPAD,), jnp.float32)],
        mesh=_mesh(),
        scratch_types=[
            pltpu.VMEM_SHARED((NPAD,), jnp.float32),
            pltpu.VMEM((CPT, CHUNK), jnp.int32),
            pltpu.VMEM((CHUNK,), jnp.float32),
            pltpu.SemaphoreType.DMA,
        ],
    )(dep, zeros_n)


def _agg_body(hs_hbm, sep_hbm, dep_hbm, out0_hbm, out1_hbm, acc_sh, dslab,
              sidx, rows, isems, gsems, ssems):
    cid = lax.axis_index("c")
    sid = lax.axis_index("s")
    r0 = sid * ROWS_PT
    pltpu.sync_copy(hs_hbm.at[pl.ds(r0, ROWS_PT)],
                    acc_sh.at[pl.ds(r0, ROWS_PT)])
    base = (cid * 16 + sid) * CPT
    pltpu.sync_copy(dep_hbm.at[pl.ds(base, CPT)], dslab)
    for b in range(NBUF):
        pltpu.async_copy(sep_hbm.at[base + b], sidx[b], isems[b])
    plsc.subcore_barrier()

    def group(g, carry):
        for b in range(NBUF):
            c = NBUF * g + b
            pltpu.make_async_copy(sep_hbm.at[base], sidx[b], isems[b]).wait()

            @pl.when(g > 0)
            def _():
                pltpu.make_async_copy(rows[b], acc_sh.at[dslab.at[0]],
                                      ssems[b]).wait()
            pltpu.async_copy(hs_hbm.at[sidx[b]], rows[b], gsems[b])
        for b in range(NBUF):
            c = NBUF * g + b
            pltpu.make_async_copy(hs_hbm.at[sidx[b]], rows[b],
                                  gsems[b]).wait()
            nxt = base + lax.min(c + NBUF, CPT - 1)
            pltpu.async_copy(sep_hbm.at[nxt], sidx[b], isems[b])
            pltpu.async_copy(rows[b], acc_sh.at[dslab.at[c]], ssems[b],
                             add=True)
        return carry

    lax.fori_loop(0, NGRP, group, 0)
    for b in range(NBUF):
        pltpu.make_async_copy(sep_hbm.at[base], sidx[b], isems[b]).wait()
        pltpu.make_async_copy(rows[b], acc_sh.at[dslab.at[0]],
                              ssems[b]).wait()
    plsc.subcore_barrier()

    @pl.when(cid == 0)
    def _():
        pltpu.sync_copy(acc_sh.at[pl.ds(r0, ROWS_PT)],
                        out0_hbm.at[pl.ds(r0, ROWS_PT)])

    @pl.when(cid == 1)
    def _():
        pltpu.sync_copy(acc_sh.at[pl.ds(r0, ROWS_PT)],
                        out1_hbm.at[pl.ds(r0, ROWS_PT)])


def _sc_agg(hs, sep, dep):
    return pl.kernel(
        _agg_body,
        out_type=[jax.ShapeDtypeStruct((NPAD, CH), jnp.float32),
                  jax.ShapeDtypeStruct((NPAD, CH), jnp.float32)],
        mesh=_mesh(),
        scratch_types=[
            pltpu.VMEM_SHARED((NPAD, CH), jnp.float32),
            pltpu.VMEM((CPT, CHUNK), jnp.int32),
            [pltpu.VMEM((CHUNK,), jnp.int32) for _ in range(NBUF)],
            [pltpu.VMEM((CHUNK, CH), jnp.float32) for _ in range(NBUF)],
            [pltpu.SemaphoreType.DMA for _ in range(NBUF)],
            [pltpu.SemaphoreType.DMA for _ in range(NBUF)],
            [pltpu.SemaphoreType.DMA for _ in range(NBUF)],
        ],
    )(hs, sep, dep)



BR = 1024
GRID = NPAD // BR
BRC = 1024
GRIDC = (N + BRC - 1) // BRC


def _dinv_block(d0_ref, d1_ref):
    deg = d0_ref[...] + d1_ref[...] + 1.0
    return lax.rsqrt(deg)[:, None]


def _ka_body(d0_ref, d1_ref, x_ref, w_ref, hs_ref):
    t = jnp.dot(x_ref[...], w_ref[...], preferred_element_type=jnp.float32)
    hs_ref[...] = t * _dinv_block(d0_ref, d1_ref)


def _tc_first(deg0, deg1, xp, w1):
    return pl.pallas_call(
        _ka_body,
        grid=(GRID,),
        in_specs=[
            pl.BlockSpec((BR,), lambda i: (i,)),
            pl.BlockSpec((BR,), lambda i: (i,)),
            pl.BlockSpec((BR, CH), lambda i: (i, 0)),
            pl.BlockSpec((CH, CH), lambda i: (0, 0)),
        ],
        out_specs=pl.BlockSpec((BR, CH), lambda i: (i, 0)),
        out_shape=jax.ShapeDtypeStruct((NPAD, CH), jnp.float32),
    )(deg0, deg1, xp, w1)


def _kb_body(a0_ref, a1_ref, hs1_ref, d0_ref, d1_ref, b_ref, hs2_ref):
    dinv = _dinv_block(d0_ref, d1_ref)
    s = a0_ref[...] + a1_ref[...] - hs1_ref[...]
    h = jnp.maximum(s * dinv + b_ref[...], 0.0)
    hs2_ref[...] = h * dinv


def _tc_mid(a0, a1, hs1, deg0, deg1, b1):
    return pl.pallas_call(
        _kb_body,
        grid=(GRID,),
        in_specs=[
            pl.BlockSpec((BR, CH), lambda i: (i, 0)),
            pl.BlockSpec((BR, CH), lambda i: (i, 0)),
            pl.BlockSpec((BR, CH), lambda i: (i, 0)),
            pl.BlockSpec((BR,), lambda i: (i,)),
            pl.BlockSpec((BR,), lambda i: (i,)),
            pl.BlockSpec((1, CH), lambda i: (0, 0)),
        ],
        out_specs=pl.BlockSpec((BR, CH), lambda i: (i, 0)),
        out_shape=jax.ShapeDtypeStruct((NPAD, CH), jnp.float32),
    )(a0, a1, hs1, deg0, deg1, b1)


def _kc_body(a0_ref, a1_ref, hs2_ref, d0_ref, d1_ref, wmu_ref, bmu_ref,
             wlv_ref, blv_ref, mu_ref, lv_ref):
    c = (a0_ref[...] + a1_ref[...] - hs2_ref[...]) * _dinv_block(d0_ref,
                                                                 d1_ref)
    mu_ref[...] = (
        jnp.dot(c, wmu_ref[...], preferred_element_type=jnp.float32)
        + bmu_ref[...])
    lv_ref[...] = (
        jnp.dot(c, wlv_ref[...], preferred_element_type=jnp.float32)
        + blv_ref[...])


def _tc_last(a0, a1, hs2, deg0, deg1, wmu, bmu, wlv, blv):
    return pl.pallas_call(
        _kc_body,
        grid=(GRIDC,),
        in_specs=[
            pl.BlockSpec((BRC, CH), lambda i: (i, 0)),
            pl.BlockSpec((BRC, CH), lambda i: (i, 0)),
            pl.BlockSpec((BRC, CH), lambda i: (i, 0)),
            pl.BlockSpec((BRC,), lambda i: (i,)),
            pl.BlockSpec((BRC,), lambda i: (i,)),
            pl.BlockSpec((CH, EMB), lambda i: (0, 0)),
            pl.BlockSpec((1, EMB), lambda i: (0, 0)),
            pl.BlockSpec((CH, EMB), lambda i: (0, 0)),
            pl.BlockSpec((1, EMB), lambda i: (0, 0)),
        ],
        out_specs=[
            pl.BlockSpec((BRC, EMB), lambda i: (i, 0)),
            pl.BlockSpec((BRC, EMB), lambda i: (i, 0)),
        ],
        out_shape=[jax.ShapeDtypeStruct((N, EMB), jnp.float32),
                   jax.ShapeDtypeStruct((N, EMB), jnp.float32)],
    )(a0, a1, hs2, deg0, deg1, wmu, bmu, wlv, blv)



def kernel(x, edges, W1, b1, Wmu, bmu, Wlv, blv):
    src = edges[0]
    dst = edges[1]
    npad_e = EPAD - E
    ar = np.arange(npad_e, dtype=np.int32)
    src_pad = jnp.asarray(ar % 16)
    dst_pad = jnp.asarray(N + (ar % (NPAD - N)), dtype=np.int32)
    sep = jnp.concatenate([src, src_pad]).reshape(NCHUNKS, CHUNK)
    dep = jnp.concatenate([dst, dst_pad]).reshape(NCHUNKS, CHUNK)

    xp = jnp.pad(x, ((0, NPAD - N), (0, 0)))
    zeros_n = jnp.zeros((NPAD,), jnp.float32)
    b1r = b1.reshape(1, CH)
    bmur = bmu.reshape(1, EMB)
    blvr = blv.reshape(1, EMB)

    deg0, deg1 = _sc_deg(dep, zeros_n)
    hs1 = _tc_first(deg0, deg1, xp, W1)
    a10, a11 = _sc_agg(hs1, sep, dep)
    hs2 = _tc_mid(a10, a11, hs1, deg0, deg1, b1r)
    a20, a21 = _sc_agg(hs2, sep, dep)
    return _tc_last(a20, a21, hs2, deg0, deg1, Wmu, bmur, Wlv, blvr)

# --- scband reference (transcript-rebuilt; emitter-appended) ---
"""Pipeline reference for scband-gcnencoder-7791070674960 (READ-ONLY COPY).

The authoritative reference and input builder live on the scoring server;
editing this copy changes nothing except your own understanding.
"""

import jax, jax.numpy as jnp
import numpy as np

N = 10000
E = 320000
IN_CH = 128
HID = 128
EMB = 64


def gcn_conv(x, edge_index, W, b):
    # Faithful GCNConv: add self-loops, symmetric normalization, linear, aggregate, bias.
    n = x.shape[0]
    loop = jnp.arange(n, dtype=edge_index.dtype)
    src = jnp.concatenate([edge_index[0], loop])
    dst = jnp.concatenate([edge_index[1], loop])
    deg = jax.ops.segment_sum(jnp.ones(src.shape[0], dtype=x.dtype), dst, num_segments=n)
    dinv = jnp.where(deg > 0, jax.lax.rsqrt(deg), 0.0)
    norm = dinv[src] * dinv[dst]
    h = x @ W
    msg = h[src] * norm[:, None]
    out = jax.ops.segment_sum(msg, dst, num_segments=n)
    return out + b


def setup_inputs(seed: int = 0) -> dict:
    key = jax.random.key(seed)
    ks = jax.random.split(key, 8)
    x = jax.random.normal(ks[0], (N, IN_CH), dtype=jnp.float32)
    edges = jax.random.randint(ks[1], (2, E), 0, N).astype(jnp.int32)
    def glorot(k, fan_in, fan_out):
        lim = np.sqrt(6.0 / (fan_in + fan_out))
        return jax.random.uniform(k, (fan_in, fan_out), dtype=jnp.float32, minval=-lim, maxval=lim)
    W1 = glorot(ks[2], IN_CH, HID)
    b1 = jnp.zeros((HID,), dtype=jnp.float32)
    Wmu = glorot(ks[3], HID, EMB)
    bmu = jnp.zeros((EMB,), dtype=jnp.float32)
    Wlv = glorot(ks[4], HID, EMB)
    blv = jnp.zeros((EMB,), dtype=jnp.float32)
    return {"x": x, "edges": edges, "W1": W1, "b1": b1, "Wmu": Wmu, "bmu": bmu, "Wlv": Wlv, "blv": blv}


def reference(x, edges, W1, b1, Wmu, bmu, Wlv, blv):
    h = jax.nn.relu(gcn_conv(x, edges, W1, b1))
    mu = gcn_conv(h, edges, Wmu, bmu)
    logvar = gcn_conv(h, edges, Wlv, blv)
    return (mu, logvar)

if __name__ == "__main__":
    import jax
    _d = setup_inputs()
    print(jax.jit(kernel)(*tuple(_d.values())))

</pallas_src>

<mosaic_0001>
#map = affine_map<(d0, d1) -> (0, 0)>
#map1 = affine_map<(d0, d1) -> (0)>
module attributes {stable_mosaic.version = 14 : i64} {
  func.func @_deg_body(%arg0: i32, %arg1: i32, %arg2: memref<2560x128xi32, #tpu.memory_space<hbm>>, %arg3: memref<10240xf32, #tpu.memory_space<hbm>>, %arg4: memref<10240xf32, #tpu.memory_space<hbm>>, %arg5: memref<10240xf32, #tpu.memory_space<hbm>>, %arg6: memref<10240xf32, #tpu.memory_space<vmem_shared>>, %arg7: memref<80x128xi32, #tpu.memory_space<vmem>>, %arg8: memref<128xf32, #tpu.memory_space<vmem>>, %arg9: memref<!tpu.dma_semaphore, #tpu.memory_space<semaphore_mem>>) attributes {dimension_semantics = [#tpu.dimension_semantics<core_parallel>, #tpu.dimension_semantics<subcore_parallel>], iteration_bounds = array<i64: 2, 16>, scalar_prefetch = 0 : i64, scratch_operands = 4 : i64, tpu.core_type = #tpu.core_type<sc_vector_subcore>, window_params = [{transform_indices = #map}, {transform_indices = #map1}, {transform_indices = #map1}, {transform_indices = #map1}]} {
    %mul3A = arith.constant 640 : i32
    %mul3A_0 = arith.muli %arg1, %mul3A : i32
    "tpu.region"() ({
      %run_scoped3A = tpu.sem_alloc : memref<!tpu.dma_semaphore, #tpu.memory_space<semaphore_mem>>
      %dma_start3A = tpu.memref_slice %arg6[%mul3A_0] : memref<10240xf32, #tpu.memory_space<vmem_shared>> -> memref<640xf32, #tpu.memory_space<vmem_shared>>
      %dma_start3A_70 = tpu.memref_slice %arg3[%mul3A_0] : memref<10240xf32, #tpu.memory_space<hbm>> -> memref<640xf32, #tpu.memory_space<hbm>>
      tpu.enqueue_dma source(%dma_start3A_70 : memref<640xf32, #tpu.memory_space<hbm>>) target(%dma_start3A : memref<640xf32, #tpu.memory_space<vmem_shared>>) target_semaphore(%run_scoped3A : memref<!tpu.dma_semaphore, #tpu.memory_space<semaphore_mem>>)
      %dma_wait3A = tpu.memref_slice %arg6[%mul3A_0] : memref<10240xf32, #tpu.memory_space<vmem_shared>> -> memref<640xf32, #tpu.memory_space<vmem_shared>>
      %dma_wait3A_71 = tpu.memref_slice %arg3[%mul3A_0] : memref<10240xf32, #tpu.memory_space<hbm>> -> memref<640xf32, #tpu.memory_space<hbm>>
      tpu.wait_dma2 semaphore(%run_scoped3A : memref<!tpu.dma_semaphore, #tpu.memory_space<semaphore_mem>>) src(%dma_wait3A_71 : memref<640xf32, #tpu.memory_space<hbm>>) dst(%dma_wait3A : memref<640xf32, #tpu.memory_space<vmem_shared>>)
      tpu.yield
    }) : () -> ()
    %mul3A_1 = arith.constant 16 : i32
    %mul3A_2 = arith.muli %arg0, %mul3A_1 : i32
    %add3A = arith.addi %mul3A_2, %arg1 : i32
    %mul3A_3 = arith.constant 80 : i32
    %mul3A_4 = arith.muli %add3A, %mul3A_3 : i32
    "tpu.region"() ({
      %run_scoped3A = tpu.sem_alloc : memref<!tpu.dma_semaphore, #tpu.memory_space<semaphore_mem>>
      %dma_start3A = arith.constant 0 : i32
      %dma_start3A_70 = tpu.memref_slice %arg2[%mul3A_4, %dma_start3A] : memref<2560x128xi32, #tpu.memory_space<hbm>> -> memref<80x128xi32, #tpu.memory_space<hbm>>
      %dma_start3A_71 = arith.constant 0 : i32
      %dma_start3A_72 = tpu.memref_slice %arg2[%mul3A_4, %dma_start3A_71] : memref<2560x128xi32, #tpu.memory_space<hbm>> -> memref<80x128xi32, #tpu.memory_space<hbm>>
      tpu.enqueue_dma source(%dma_start3A_72 : memref<80x128xi32, #tpu.memory_space<hbm>>) target(%arg7 : memref<80x128xi32, #tpu.memory_space<vmem>>) target_semaphore(%run_scoped3A : memref<!tpu.dma_semaphore, #tpu.memory_space<semaphore_mem>>)
      %dma_wait3A = arith.constant 0 : i32
      %dma_wait3A_73 = tpu.memref_slice %arg2[%mul3A_4, %dma_wait3A] : memref<2560x128xi32, #tpu.memory_space<hbm>> -> memref<80x128xi32, #tpu.memory_space<hbm>>
      %dma_wait3A_74 = arith.constant 0 : i32
      %dma_wait3A_75 = tpu.memref_slice %arg2[%mul3A_4, %dma_wait3A_74] : memref<2560x128xi32, #tpu.memory_space<hbm>> -> memref<80x128xi32, #tpu.memory_space<hbm>>
      tpu.wait_dma2 semaphore(%run_scoped3A : memref<!tpu.dma_semaphore, #tpu.memory_space<semaphore_mem>>) src(%dma_wait3A_75 : memref<80x128xi32, #tpu.memory_space<hbm>>) dst(%arg7 : memref<80x128xi32, #tpu.memory_space<vmem>>)
      tpu.yield
    }) : () -> ()
    %broadcast_in_dim3A = arith.constant 1.000000e+00 : f32
    %broadcast_in_dim3A_5 = vector.broadcast %broadcast_in_dim3A : f32 to vector<16xf32>
    %swap3A = arith.constant 0 : index
    %swap3A_6 = tpu.vector_load %arg8[%swap3A] {strides = array<i32>} : memref<128xf32, #tpu.memory_space<vmem>>, vector<16xf32>,
    %swap3A_7 = vector.shape_cast %swap3A_6 : vector<16xf32> to vector<16xf32>
    %swap3A_8 = vector.shape_cast %broadcast_in_dim3A_5 : vector<16xf32> to vector<16xf32>
    tpu.vector_store %arg8[%swap3A], %swap3A_8 {strides = array<i32>} : memref<128xf32, #tpu.memory_space<vmem>>, vector<16xf32>,
    %broadcast_in_dim3A_9 = arith.constant 1.000000e+00 : f32
    %broadcast_in_dim3A_10 = vector.broadcast %broadcast_in_dim3A_9 : f32 to vector<16xf32>
    %swap3A_11 = arith.constant 16 : index
    %swap3A_12 = tpu.vector_load %arg8[%swap3A_11] {strides = array<i32>} : memref<128xf32, #tpu.memory_space<vmem>>, vector<16xf32>,
    %swap3A_13 = vector.shape_cast %swap3A_12 : vector<16xf32> to vector<16xf32>
    %swap3A_14 = vector.shape_cast %broadcast_in_dim3A_10 : vector<16xf32> to vector<16xf32>
    tpu.vector_store %arg8[%swap3A_11], %swap3A_14 {strides = array<i32>} : memref<128xf32, #tpu.memory_space<vmem>>, vector<16xf32>,
    %broadcast_in_dim3A_15 = arith.constant 1.000000e+00 : f32
    %broadcast_in_dim3A_16 = vector.broadcast %broadcast_in_dim3A_15 : f32 to vector<16xf32>
    %swap3A_17 = arith.constant 32 : index
    %swap3A_18 = tpu.vector_load %arg8[%swap3A_17] {strides = array<i32>} : memref<128xf32, #tpu.memory_space<vmem>>, vector<16xf32>,
    %swap3A_19 = vector.shape_cast %swap3A_18 : vector<16xf32> to vector<16xf32>
    %swap3A_20 = vector.shape_cast %broadcast_in_dim3A_16 : vector<16xf32> to vector<16xf32>
    tpu.vector_store %arg8[%swap3A_17], %swap3A_20 {strides = array<i32>} : memref<128xf32, #tpu.memory_space<vmem>>, vector<16xf32>,
    %broadcast_in_dim3A_21 = arith.constant 1.000000e+00 : f32
    %broadcast_in_dim3A_22 = vector.broadcast %broadcast_in_dim3A_21 : f32 to vector<16xf32>
    %swap3A_23 = arith.constant 48 : index
    %swap3A_24 = tpu.vector_load %arg8[%swap3A_23] {strides = array<i32>} : memref<128xf32, #tpu.memory_space<vmem>>, vector<16xf32>,
    %swap3A_25 = vector.shape_cast %swap3A_24 : vector<16xf32> to vector<16xf32>
    %swap3A_26 = vector.shape_cast %broadcast_in_dim3A_22 : vector<16xf32> to vector<16xf32>
    tpu.vector_store %arg8[%swap3A_23], %swap3A_26 {strides = array<i32>} : memref<128xf32, #tpu.memory_space<vmem>>, vector<16xf32>,
    %broadcast_in_dim3A_27 = arith.constant 1.000000e+00 : f32
    %broadcast_in_dim3A_28 = vector.broadcast %broadcast_in_dim3A_27 : f32 to vector<16xf32>
    %swap3A_29 = arith.constant 64 : index
    %swap3A_30 = tpu.vector_load %arg8[%swap3A_29] {strides = array<i32>} : memref<128xf32, #tpu.memory_space<vmem>>, vector<16xf32>,
    %swap3A_31 = vector.shape_cast %swap3A_30 : vector<16xf32> to vector<16xf32>
    %swap3A_32 = vector.shape_cast %broadcast_in_dim3A_28 : vector<16xf32> to vector<16xf32>
    tpu.vector_store %arg8[%swap3A_29], %swap3A_32 {strides = array<i32>} : memref<128xf32, #tpu.memory_space<vmem>>, vector<16xf32>,
    %broadcast_in_dim3A_33 = arith.constant 1.000000e+00 : f32
    %broadcast_in_dim3A_34 = vector.broadcast %broadcast_in_dim3A_33 : f32 to vector<16xf32>
    %swap3A_35 = arith.constant 80 : index
    %swap3A_36 = tpu.vector_load %arg8[%swap3A_35] {strides = array<i32>} : memref<128xf32, #tpu.memory_space<vmem>>, vector<16xf32>,
    %swap3A_37 = vector.shape_cast %swap3A_36 : vector<16xf32> to vector<16xf32>
    %swap3A_38 = vector.shape_cast %broadcast_in_dim3A_34 : vector<16xf32> to vector<16xf32>
    tpu.vector_store %arg8[%swap3A_35], %swap3A_38 {strides = array<i32>} : memref<128xf32, #tpu.memory_space<vmem>>, vector<16xf32>,
    %broadcast_in_dim3A_39 = arith.constant 1.000000e+00 : f32
    %broadcast_in_dim3A_40 = vector.broadcast %broadcast_in_dim3A_39 : f32 to vector<16xf32>
    %swap3A_41 = arith.constant 96 : index
    %swap3A_42 = tpu.vector_load %arg8[%swap3A_41] {strides = array<i32>} : memref<128xf32, #tpu.memory_space<vmem>>, vector<16xf32>,
    %swap3A_43 = vector.shape_cast %swap3A_42 : vector<16xf32> to vector<16xf32>
    %swap3A_44 = vector.shape_cast %broadcast_in_dim3A_40 : vector<16xf32> to vector<16xf32>
    tpu.vector_store %arg8[%swap3A_41], %swap3A_44 {strides = array<i32>} : memref<128xf32, #tpu.memory_space<vmem>>, vector<16xf32>,
    %broadcast_in_dim3A_45 = arith.constant 1.000000e+00 : f32
    %broadcast_in_dim3A_46 = vector.broadcast %broadcast_in_dim3A_45 : f32 to vector<16xf32>
    %swap3A_47 = arith.constant 112 : index
    %swap3A_48 = tpu.vector_load %arg8[%swap3A_47] {strides = array<i32>} : memref<128xf32, #tpu.memory_space<vmem>>, vector<16xf32>,
    %swap3A_49 = vector.shape_cast %swap3A_48 : vector<16xf32> to vector<16xf32>
    %swap3A_50 = vector.shape_cast %broadcast_in_dim3A_46 : vector<16xf32> to vector<16xf32>
    tpu.vector_store %arg8[%swap3A_47], %swap3A_50 {strides = array<i32>} : memref<128xf32, #tpu.memory_space<vmem>>, vector<16xf32>,
    %barrier3A = arith.constant 0 : index
    tpu.barrier barrier_id(%barrier3A)
    %scan3A = arith.constant 0 : i32
    %scan3A_51 = arith.constant 0 : i32
    %scan3A_52 = arith.constant 80 : i32
    %scan3A_53 = arith.addi %scan3A_51, %scan3A_52 : i32
    %scan3A_54 = arith.constant 1 : i32
    scf.for %scan3A_70 = %scan3A_51 to %scan3A_53 step %scan3A_54  : i32 {
      %dma_start3A = arith.constant 0 : i32
      %dma_start3A_71 = tpu.memref_slice %arg7[%scan3A_70, %dma_start3A] : memref<80x128xi32, #tpu.memory_space<vmem>> -> memref<1x128xi32, #tpu.memory_space<vmem>>
      %dma_start3A_72 = tpu.memref_squeeze %dma_start3A_71 : memref<1x128xi32, #tpu.memory_space<vmem>> -> memref<128xi32, #tpu.memory_space<vmem>>
      %dma_start3A_73 = arith.constant 0 : i32
      %dma_start3A_74 = tpu.memref_slice %arg6[%dma_start3A_73] : memref<10240xf32, #tpu.memory_space<vmem_shared>> -> memref<10240xf32, #tpu.memory_space<vmem_shared>>
      tpu.enqueue_indirect_dma source(%arg8 : memref<128xf32, #tpu.memory_space<vmem>>) target(%dma_start3A_74 : memref<10240xf32, #tpu.memory_space<vmem_shared>>) offsets(%dma_start3A_72 : memref<128xi32, #tpu.memory_space<vmem>>) semaphore(%arg9 : memref<!tpu.dma_semaphore, #tpu.memory_space<semaphore_mem>>) {add = true}
    }
    %scan3A_55 = arith.constant 80 : i32
    %scan3A_56 = arith.constant 0 : i32
    %scan3A_57 = arith.constant 0 : i32
    %scan3A_58 = arith.constant 80 : i32
    %scan3A_59 = arith.addi %scan3A_57, %scan3A_58 : i32
    %scan3A_60 = arith.constant 1 : i32
    scf.for %scan3A_70 = %scan3A_57 to %scan3A_59 step %scan3A_60  : i32 {
      %dma_wait3A = arith.constant 0 : i32
      %dma_wait3A_71 = arith.constant 0 : i32
      %dma_wait3A_72 = tpu.memref_slice %arg7[%dma_wait3A, %dma_wait3A_71] : memref<80x128xi32, #tpu.memory_space<vmem>> -> memref<1x128xi32, #tpu.memory_space<vmem>>
      %dma_wait3A_73 = tpu.memref_squeeze %dma_wait3A_72 : memref<1x128xi32, #tpu.memory_space<vmem>> -> memref<128xi32, #tpu.memory_space<vmem>>
      %dma_wait3A_74 = arith.constant 0 : i32
      %dma_wait3A_75 = tpu.memref_slice %arg6[%dma_wait3A_74] : memref<10240xf32, #tpu.memory_space<vmem_shared>> -> memref<10240xf32, #tpu.memory_space<vmem_shared>>
      tpu.wait_indirect_dma semaphore(%arg9 : memref<!tpu.dma_semaphore, #tpu.memory_space<semaphore_mem>>) src(%arg8 : memref<128xf32, #tpu.memory_space<vmem>>) dst(%dma_wait3A_75 : memref<10240xf32, #tpu.memory_space<vmem_shared>>)
    }
    %scan3A_61 = arith.constant 80 : i32
    %barrier3A_62 = arith.constant 0 : index
    tpu.barrier barrier_id(%barrier3A_62)
    %eq3A = arith.constant 0 : i32
    %eq3A_63 = arith.cmpi eq, %arg0, %eq3A : i32
    %convert_element_type3A = arith.extui %eq3A_63 : i1 to i32
    %cond3A = arith.constant 0 : i32
    %cond3A_64 = arith.cmpi ne, %convert_element_type3A, %cond3A : i32
    scf.if %cond3A_64 {
      "tpu.region"() ({
        %run_scoped3A = tpu.sem_alloc : memref<!tpu.dma_semaphore, #tpu.memory_space<semaphore_mem>>
        %dma_start3A = tpu.memref_slice %arg4[%mul3A_0] : memref<10240xf32, #tpu.memory_space<hbm>> -> memref<640xf32, #tpu.memory_space<hbm>>
        %dma_start3A_70 = tpu.memref_slice %arg6[%mul3A_0] : memref<10240xf32, #tpu.memory_space<vmem_shared>> -> memref<640xf32, #tpu.memory_space<vmem_shared>>
        tpu.enqueue_dma source(%dma_start3A_70 : memref<640xf32, #tpu.memory_space<vmem_shared>>) target(%dma_start3A : memref<640xf32, #tpu.memory_space<hbm>>) target_semaphore(%run_scoped3A : memref<!tpu.dma_semaphore, #tpu.memory_space<semaphore_mem>>)
        %dma_wait3A = tpu.memref_slice %arg4[%mul3A_0] : memref<10240xf32, #tpu.memory_space<hbm>> -> memref<640xf32, #tpu.memory_space<hbm>>
        %dma_wait3A_71 = tpu.memref_slice %arg6[%mul3A_0] : memref<10240xf32, #tpu.memory_space<vmem_shared>> -> memref<640xf32, #tpu.memory_space<vmem_shared>>
        tpu.wait_dma2 semaphore(%run_scoped3A : memref<!tpu.dma_semaphore, #tpu.memory_space<semaphore_mem>>) src(%dma_wait3A_71 : memref<640xf32, #tpu.memory_space<vmem_shared>>) dst(%dma_wait3A : memref<640xf32, #tpu.memory_space<hbm>>)
        tpu.yield
      }) : () -> ()
    } else {
    }
    %eq3A_65 = arith.constant 1 : i32
    %eq3A_66 = arith.cmpi eq, %arg0, %eq3A_65 : i32
    %convert_element_type3A_67 = arith.extui %eq3A_66 : i1 to i32
    %cond3A_68 = arith.constant 0 : i32
    %cond3A_69 = arith.cmpi ne, %convert_element_type3A_67, %cond3A_68 : i32
    scf.if %cond3A_69 {
      "tpu.region"() ({
        %run_scoped3A = tpu.sem_alloc : memref<!tpu.dma_semaphore, #tpu.memory_space<semaphore_mem>>
        %dma_start3A = tpu.memref_slice %arg5[%mul3A_0] : memref<10240xf32, #tpu.memory_space<hbm>> -> memref<640xf32, #tpu.memory_space<hbm>>
        %dma_start3A_70 = tpu.memref_slice %arg6[%mul3A_0] : memref<10240xf32, #tpu.memory_space<vmem_shared>> -> memref<640xf32, #tpu.memory_space<vmem_shared>>
        tpu.enqueue_dma source(%dma_start3A_70 : memref<640xf32, #tpu.memory_space<vmem_shared>>) target(%dma_start3A : memref<640xf32, #tpu.memory_space<hbm>>) target_semaphore(%run_scoped3A : memref<!tpu.dma_semaphore, #tpu.memory_space<semaphore_mem>>)
        %dma_wait3A = tpu.memref_slice %arg5[%mul3A_0] : memref<10240xf32, #tpu.memory_space<hbm>> -> memref<640xf32, #tpu.memory_space<hbm>>
        %dma_wait3A_71 = tpu.memref_slice %arg6[%mul3A_0] : memref<10240xf32, #tpu.memory_space<vmem_shared>> -> memref<640xf32, #tpu.memory_space<vmem_shared>>
        tpu.wait_dma2 semaphore(%run_scoped3A : memref<!tpu.dma_semaphore, #tpu.memory_space<semaphore_mem>>) src(%dma_wait3A_71 : memref<640xf32, #tpu.memory_space<vmem_shared>>) dst(%dma_wait3A : memref<640xf32, #tpu.memory_space<hbm>>)
        tpu.yield
      }) : () -> ()
    } else {
    }
    return
  }
}

#map = affine_map<(d0, d1) -> (0, 0)>
module attributes {stable_mosaic.version = 14 : i64} {
  func.func @_agg_body(%arg0: i32, %arg1: i32, %arg2: memref<10240x128xf32, #tpu.memory_space<hbm>>, %arg3: memref<2560x128xi32, #tpu.memory_space<hbm>>, %arg4: memref<2560x128xi32, #tpu.memory_space<hbm>>, %arg5: memref<10240x128xf32, #tpu.memory_space<hbm>>, %arg6: memref<10240x128xf32, #tpu.memory_space<hbm>>, %arg7: memref<10240x128xf32, #tpu.memory_space<vmem_shared>>, %arg8: memref<80x128xi32, #tpu.memory_space<vmem>>, %arg9: memref<128xi32, #tpu.memory_space<vmem>>, %arg10: memref<128xi32, #tpu.memory_space<vmem>>, %arg11: memref<128x128xf32, #tpu.memory_space<vmem>>, %arg12: memref<128x128xf32, #tpu.memory_space<vmem>>, %arg13: memref<!tpu.dma_semaphore, #tpu.memory_space<semaphore_mem>>, %arg14: memref<!tpu.dma_semaphore, #tpu.memory_space<semaphore_mem>>, %arg15: memref<!tpu.dma_semaphore, #tpu.memory_space<semaphore_mem>>, %arg16: memref<!tpu.dma_semaphore, #tpu.memory_space<semaphore_mem>>, %arg17: memref<!tpu.dma_semaphore, #tpu.memory_space<semaphore_mem>>, %arg18: memref<!tpu.dma_semaphore, #tpu.memory_space<semaphore_mem>>) attributes {dimension_semantics = [#tpu.dimension_semantics<core_parallel>, #tpu.dimension_semantics<subcore_parallel>], iteration_bounds = array<i64: 2, 16>, scalar_prefetch = 0 : i64, scratch_operands = 12 : i64, tpu.core_type = #tpu.core_type<sc_vector_subcore>, window_params = [{transform_indices = #map}, {transform_indices = #map}, {transform_indices = #map}, {transform_indices = #map}, {transform_indices = #map}]} {
    %mul3A = arith.constant 640 : i32
    %mul3A_0 = arith.muli %arg1, %mul3A : i32
    "tpu.region"() ({
      %run_scoped3A = tpu.sem_alloc : memref<!tpu.dma_semaphore, #tpu.memory_space<semaphore_mem>>
      %dma_start3A_58 = arith.constant 0 : i32
      %dma_start3A_59 = tpu.memref_slice %arg7[%mul3A_0, %dma_start3A_58] : memref<10240x128xf32, #tpu.memory_space<vmem_shared>> -> memref<640x128xf32, #tpu.memory_space<vmem_shared>>
      %dma_start3A_60 = arith.constant 0 : i32
      %dma_start3A_61 = tpu.memref_slice %arg2[%mul3A_0, %dma_start3A_60] : memref<10240x128xf32, #tpu.memory_space<hbm>> -> memref<640x128xf32, #tpu.memory_space<hbm>>
      tpu.enqueue_dma source(%dma_start3A_61 : memref<640x128xf32, #tpu.memory_space<hbm>>) target(%dma_start3A_59 : memref<640x128xf32, #tpu.memory_space<vmem_shared>>) target_semaphore(%run_scoped3A : memref<!tpu.dma_semaphore, #tpu.memory_space<semaphore_mem>>)
      %dma_wait3A_62 = arith.constant 0 : i32
      %dma_wait3A_63 = tpu.memref_slice %arg7[%mul3A_0, %dma_wait3A_62] : memref<10240x128xf32, #tpu.memory_space<vmem_shared>> -> memref<640x128xf32, #tpu.memory_space<vmem_shared>>
      %dma_wait3A_64 = arith.constant 0 : i32
      %dma_wait3A_65 = tpu.memref_slice %arg2[%mul3A_0, %dma_wait3A_64] : memref<10240x128xf32, #tpu.memory_space<hbm>> -> memref<640x128xf32, #tpu.memory_space<hbm>>
      tpu.wait_dma2 semaphore(%run_scoped3A : memref<!tpu.dma_semaphore, #tpu.memory_space<semaphore_mem>>) src(%dma_wait3A_65 : memref<640x128xf32, #tpu.memory_space<hbm>>) dst(%dma_wait3A_63 : memref<640x128xf32, #tpu.memory_space<vmem_shared>>)
      tpu.yield
    }) : () -> ()
    %mul3A_1 = arith.constant 16 : i32
    %mul3A_2 = arith.muli %arg0, %mul3A_1 : i32
    %add3A = arith.addi %mul3A_2, %arg1 : i32
    %mul3A_3 = arith.constant 80 : i32
    %mul3A_4 = arith.muli %add3A, %mul3A_3 : i32
    "tpu.region"() ({
      %run_scoped3A = tpu.sem_alloc : memref<!tpu.dma_semaphore, #tpu.memory_space<semaphore_mem>>
      %dma_start3A_58 = arith.constant 0 : i32
      %dma_start3A_59 = tpu.memref_slice %arg4[%mul3A_4, %dma_start3A_58] : memref<2560x128xi32, #tpu.memory_space<hbm>> -> memref<80x128xi32, #tpu.memory_space<hbm>>
      %dma_start3A_60 = arith.constant 0 : i32
      %dma_start3A_61 = tpu.memref_slice %arg4[%mul3A_4, %dma_start3A_60] : memref<2560x128xi32, #tpu.memory_space<hbm>> -> memref<80x128xi32, #tpu.memory_space<hbm>>
      tpu.enqueue_dma source(%dma_start3A_61 : memref<80x128xi32, #tpu.memory_space<hbm>>) target(%arg8 : memref<80x128xi32, #tpu.memory_space<vmem>>) target_semaphore(%run_scoped3A : memref<!tpu.dma_semaphore, #tpu.memory_space<semaphore_mem>>)
      %dma_wait3A_62 = arith.constant 0 : i32
      %dma_wait3A_63 = tpu.memref_slice %arg4[%mul3A_4, %dma_wait3A_62] : memref<2560x128xi32, #tpu.memory_space<hbm>> -> memref<80x128xi32, #tpu.memory_space<hbm>>
      %dma_wait3A_64 = arith.constant 0 : i32
      %dma_wait3A_65 = tpu.memref_slice %arg4[%mul3A_4, %dma_wait3A_64] : memref<2560x128xi32, #tpu.memory_space<hbm>> -> memref<80x128xi32, #tpu.memory_space<hbm>>
      tpu.wait_dma2 semaphore(%run_scoped3A : memref<!tpu.dma_semaphore, #tpu.memory_space<semaphore_mem>>) src(%dma_wait3A_65 : memref<80x128xi32, #tpu.memory_space<hbm>>) dst(%arg8 : memref<80x128xi32, #tpu.memory_space<vmem>>)
      tpu.yield
    }) : () -> ()
    %add3A_5 = arith.constant 0 : i32
    %add3A_6 = arith.addi %mul3A_4, %add3A_5 : i32
    %dma_start3A = arith.constant 0 : i32
    %dma_start3A_7 = tpu.memref_slice %arg3[%add3A_6, %dma_start3A] : memref<2560x128xi32, #tpu.memory_space<hbm>> -> memref<1x128xi32, #tpu.memory_space<hbm>>
    %dma_start3A_8 = tpu.memref_squeeze %dma_start3A_7 : memref<1x128xi32, #tpu.memory_space<hbm>> -> memref<128xi32, #tpu.memory_space<hbm>>
    %dma_start3A_9 = arith.constant 0 : i32
    %dma_start3A_10 = tpu.memref_slice %arg3[%add3A_6, %dma_start3A_9] : memref<2560x128xi32, #tpu.memory_space<hbm>> -> memref<1x128xi32, #tpu.memory_space<hbm>>
    %dma_start3A_11 = tpu.memref_squeeze %dma_start3A_10 : memref<1x128xi32, #tpu.memory_space<hbm>> -> memref<128xi32, #tpu.memory_space<hbm>>
    tpu.enqueue_dma source(%dma_start3A_11 : memref<128xi32, #tpu.memory_space<hbm>>) target(%arg9 : memref<128xi32, #tpu.memory_space<vmem>>) target_semaphore(%arg13 : memref<!tpu.dma_semaphore, #tpu.memory_space<semaphore_mem>>)
    %add3A_12 = arith.constant 1 : i32
    %add3A_13 = arith.addi %mul3A_4, %add3A_12 : i32
    %dma_start3A_14 = arith.constant 0 : i32
    %dma_start3A_15 = tpu.memref_slice %arg3[%add3A_13, %dma_start3A_14] : memref<2560x128xi32, #tpu.memory_space<hbm>> -> memref<1x128xi32, #tpu.memory_space<hbm>>
    %dma_start3A_16 = tpu.memref_squeeze %dma_start3A_15 : memref<1x128xi32, #tpu.memory_space<hbm>> -> memref<128xi32, #tpu.memory_space<hbm>>
    %dma_start3A_17 = arith.constant 0 : i32
    %dma_start3A_18 = tpu.memref_slice %arg3[%add3A_13, %dma_start3A_17] : memref<2560x128xi32, #tpu.memory_space<hbm>> -> memref<1x128xi32, #tpu.memory_space<hbm>>
    %dma_start3A_19 = tpu.memref_squeeze %dma_start3A_18 : memref<1x128xi32, #tpu.memory_space<hbm>> -> memref<128xi32, #tpu.memory_space<hbm>>
    tpu.enqueue_dma source(%dma_start3A_19 : memref<128xi32, #tpu.memory_space<hbm>>) target(%arg10 : memref<128xi32, #tpu.memory_space<vmem>>) target_semaphore(%arg14 : memref<!tpu.dma_semaphore, #tpu.memory_space<semaphore_mem>>)
    %barrier3A = arith.constant 0 : index
    tpu.barrier barrier_id(%barrier3A)
    %scan3A = arith.constant 0 : i32
    %scan3A_20 = arith.constant 0 : i32
    %scan3A_21 = arith.constant 40 : i32
    %scan3A_22 = arith.addi %scan3A_20, %scan3A_21 : i32
    %scan3A_23 = arith.constant 1 : i32
    scf.for %scan3A_58 = %scan3A_20 to %scan3A_22 step %scan3A_23  : i32 {
      %mul3A_59 = arith.constant 2 : i32
      %mul3A_60 = arith.muli %mul3A_59, %scan3A_58 : i32
      %add3A_61 = arith.constant 0 : i32
      %add3A_62 = arith.addi %mul3A_60, %add3A_61 : i32
      %dma_wait3A_63 = arith.constant 0 : i32
      %dma_wait3A_64 = tpu.memref_slice %arg3[%mul3A_4, %dma_wait3A_63] : memref<2560x128xi32, #tpu.memory_space<hbm>> -> memref<1x128xi32, #tpu.memory_space<hbm>>
      %dma_wait3A_65 = tpu.memref_squeeze %dma_wait3A_64 : memref<1x128xi32, #tpu.memory_space<hbm>> -> memref<128xi32, #tpu.memory_space<hbm>>
      %dma_wait3A_66 = arith.constant 0 : i32
      %dma_wait3A_67 = tpu.memref_slice %arg3[%mul3A_4, %dma_wait3A_66] : memref<2560x128xi32, #tpu.memory_space<hbm>> -> memref<1x128xi32, #tpu.memory_space<hbm>>
      %dma_wait3A_68 = tpu.memref_squeeze %dma_wait3A_67 : memref<1x128xi32, #tpu.memory_space<hbm>> -> memref<128xi32, #tpu.memory_space<hbm>>
      tpu.wait_dma2 semaphore(%arg13 : memref<!tpu.dma_semaphore, #tpu.memory_space<semaphore_mem>>) src(%dma_wait3A_68 : memref<128xi32, #tpu.memory_space<hbm>>) dst(%arg9 : memref<128xi32, #tpu.memory_space<vmem>>)
      %gt3A = arith.constant 0 : i32
      %gt3A_69 = arith.cmpi sgt, %scan3A_58, %gt3A : i32
      %convert_element_type3A_70 = arith.extui %gt3A_69 : i1 to i32
      %cond3A_71 = arith.constant 0 : i32
      %cond3A_72 = arith.cmpi ne, %convert_element_type3A_70, %cond3A_71 : i32
      scf.if %cond3A_72 {
        %dma_wait3A_141 = arith.constant 0 : i32
        %dma_wait3A_142 = arith.constant 0 : i32
        %dma_wait3A_143 = tpu.memref_slice %arg8[%dma_wait3A_141, %dma_wait3A_142] : memref<80x128xi32, #tpu.memory_space<vmem>> -> memref<1x128xi32, #tpu.memory_space<vmem>>
        %dma_wait3A_144 = tpu.memref_squeeze %dma_wait3A_143 : memref<1x128xi32, #tpu.memory_space<vmem>> -> memref<128xi32, #tpu.memory_space<vmem>>
        %dma_wait3A_145 = arith.constant 0 : i32
        %dma_wait3A_146 = arith.constant 0 : i32
        %dma_wait3A_147 = tpu.memref_slice %arg7[%dma_wait3A_145, %dma_wait3A_146] : memref<10240x128xf32, #tpu.memory_space<vmem_shared>> -> memref<10240x128xf32, #tpu.memory_space<vmem_shared>>
        tpu.wait_indirect_dma semaphore(%arg17 : memref<!tpu.dma_semaphore, #tpu.memory_space<semaphore_mem>>) src(%arg11 : memref<128x128xf32, #tpu.memory_space<vmem>>) dst(%dma_wait3A_147 : memref<10240x128xf32, #tpu.memory_space<vmem_shared>>)
      } else {
      }
      %dma_start3A_73 = arith.constant 0 : i32
      %dma_start3A_74 = arith.constant 0 : i32
      %dma_start3A_75 = tpu.memref_slice %arg2[%dma_start3A_73, %dma_start3A_74] : memref<10240x128xf32, #tpu.memory_space<hbm>> -> memref<10240x128xf32, #tpu.memory_space<hbm>>
      tpu.enqueue_indirect_dma source(%dma_start3A_75 : memref<10240x128xf32, #tpu.memory_space<hbm>>) target(%arg11 : memref<128x128xf32, #tpu.memory_space<vmem>>) offsets(%arg9 : memref<128xi32, #tpu.memory_space<vmem>>) semaphore(%arg15 : memref<!tpu.dma_semaphore, #tpu.memory_space<semaphore_mem>>)
      %mul3A_76 = arith.constant 2 : i32
      %mul3A_77 = arith.muli %mul3A_76, %scan3A_58 : i32
      %add3A_78 = arith.constant 1 : i32
      %add3A_79 = arith.addi %mul3A_77, %add3A_78 : i32
      %dma_wait3A_80 = arith.constant 0 : i32
      %dma_wait3A_81 = tpu.memref_slice %arg3[%mul3A_4, %dma_wait3A_80] : memref<2560x128xi32, #tpu.memory_space<hbm>> -> memref<1x128xi32, #tpu.memory_space<hbm>>
      %dma_wait3A_82 = tpu.memref_squeeze %dma_wait3A_81 : memref<1x128xi32, #tpu.memory_space<hbm>> -> memref<128xi32, #tpu.memory_space<hbm>>
      %dma_wait3A_83 = arith.constant 0 : i32
      %dma_wait3A_84 = tpu.memref_slice %arg3[%mul3A_4, %dma_wait3A_83] : memref<2560x128xi32, #tpu.memory_space<hbm>> -> memref<1x128xi32, #tpu.memory_space<hbm>>
      %dma_wait3A_85 = tpu.memref_squeeze %dma_wait3A_84 : memref<1x128xi32, #tpu.memory_space<hbm>> -> memref<128xi32, #tpu.memory_space<hbm>>
      tpu.wait_dma2 semaphore(%arg14 : memref<!tpu.dma_semaphore, #tpu.memory_space<semaphore_mem>>) src(%dma_wait3A_85 : memref<128xi32, #tpu.memory_space<hbm>>) dst(%arg10 : memref<128xi32, #tpu.memory_space<vmem>>)
      %gt3A_86 = arith.constant 0 : i32
      %gt3A_87 = arith.cmpi sgt, %scan3A_58, %gt3A_86 : i32
      %convert_element_type3A_88 = arith.extui %gt3A_87 : i1 to i32
      %cond3A_89 = arith.constant 0 : i32
      %cond3A_90 = arith.cmpi ne, %convert_element_type3A_88, %cond3A_89 : i32
      scf.if %cond3A_90 {
        %dma_wait3A_141 = arith.constant 0 : i32
        %dma_wait3A_142 = arith.constant 0 : i32
        %dma_wait3A_143 = tpu.memref_slice %arg8[%dma_wait3A_141, %dma_wait3A_142] : memref<80x128xi32, #tpu.memory_space<vmem>> -> memref<1x128xi32, #tpu.memory_space<vmem>>
        %dma_wait3A_144 = tpu.memref_squeeze %dma_wait3A_143 : memref<1x128xi32, #tpu.memory_space<vmem>> -> memref<128xi32, #tpu.memory_space<vmem>>
        %dma_wait3A_145 = arith.constant 0 : i32
        %dma_wait3A_146 = arith.constant 0 : i32
        %dma_wait3A_147 = tpu.memref_slice %arg7[%dma_wait3A_145, %dma_wait3A_146] : memref<10240x128xf32, #tpu.memory_space<vmem_shared>> -> memref<10240x128xf32, #tpu.memory_space<vmem_shared>>
        tpu.wait_indirect_dma semaphore(%arg18 : memref<!tpu.dma_semaphore, #tpu.memory_space<semaphore_mem>>) src(%arg12 : memref<128x128xf32, #tpu.memory_space<vmem>>) dst(%dma_wait3A_147 : memref<10240x128xf32, #tpu.memory_space<vmem_shared>>)
      } else {
      }
      %dma_start3A_91 = arith.constant 0 : i32
      %dma_start3A_92 = arith.constant 0 : i32
      %dma_start3A_93 = tpu.memref_slice %arg2[%dma_start3A_91, %dma_start3A_92] : memref<10240x128xf32, #tpu.memory_space<hbm>> -> memref<10240x128xf32, #tpu.memory_space<hbm>>
      tpu.enqueue_indirect_dma source(%dma_start3A_93 : memref<10240x128xf32, #tpu.memory_space<hbm>>) target(%arg12 : memref<128x128xf32, #tpu.memory_space<vmem>>) offsets(%arg10 : memref<128xi32, #tpu.memory_space<vmem>>) semaphore(%arg16 : memref<!tpu.dma_semaphore, #tpu.memory_space<semaphore_mem>>)
      %mul3A_94 = arith.constant 2 : i32
      %mul3A_95 = arith.muli %mul3A_94, %scan3A_58 : i32
      %add3A_96 = arith.constant 0 : i32
      %add3A_97 = arith.addi %mul3A_95, %add3A_96 : i32
      %dma_wait3A_98 = arith.constant 0 : i32
      %dma_wait3A_99 = arith.constant 0 : i32
      %dma_wait3A_100 = tpu.memref_slice %arg2[%dma_wait3A_98, %dma_wait3A_99] : memref<10240x128xf32, #tpu.memory_space<hbm>> -> memref<10240x128xf32, #tpu.memory_space<hbm>>
      tpu.wait_indirect_dma semaphore(%arg15 : memref<!tpu.dma_semaphore, #tpu.memory_space<semaphore_mem>>) src(%dma_wait3A_100 : memref<10240x128xf32, #tpu.memory_space<hbm>>) dst(%arg11 : memref<128x128xf32, #tpu.memory_space<vmem>>)
      %add3A_101 = arith.constant 2 : i32
      %add3A_102 = arith.addi %add3A_97, %add3A_101 : i32
      %min3A = arith.constant 79 : i32
      %min3A_103 = arith.minsi %add3A_102, %min3A : i32
      %add3A_104 = arith.addi %mul3A_4, %min3A_103 : i32
      %dma_start3A_105 = arith.constant 0 : i32
      %dma_start3A_106 = tpu.memref_slice %arg3[%add3A_104, %dma_start3A_105] : memref<2560x128xi32, #tpu.memory_space<hbm>> -> memref<1x128xi32, #tpu.memory_space<hbm>>
      %dma_start3A_107 = tpu.memref_squeeze %dma_start3A_106 : memref<1x128xi32, #tpu.memory_space<hbm>> -> memref<128xi32, #tpu.memory_space<hbm>>
      %dma_start3A_108 = arith.constant 0 : i32
      %dma_start3A_109 = tpu.memref_slice %arg3[%add3A_104, %dma_start3A_108] : memref<2560x128xi32, #tpu.memory_space<hbm>> -> memref<1x128xi32, #tpu.memory_space<hbm>>
      %dma_start3A_110 = tpu.memref_squeeze %dma_start3A_109 : memref<1x128xi32, #tpu.memory_space<hbm>> -> memref<128xi32, #tpu.memory_space<hbm>>
      tpu.enqueue_dma source(%dma_start3A_110 : memref<128xi32, #tpu.memory_space<hbm>>) target(%arg9 : memref<128xi32, #tpu.memory_space<vmem>>) target_semaphore(%arg13 : memref<!tpu.dma_semaphore, #tpu.memory_space<semaphore_mem>>)
      %dma_start3A_111 = arith.constant 0 : i32
      %dma_start3A_112 = tpu.memref_slice %arg8[%add3A_97, %dma_start3A_111] : memref<80x128xi32, #tpu.memory_space<vmem>> -> memref<1x128xi32, #tpu.memory_space<vmem>>
      %dma_start3A_113 = tpu.memref_squeeze %dma_start3A_112 : memref<1x128xi32, #tpu.memory_space<vmem>> -> memref<128xi32, #tpu.memory_space<vmem>>
      %dma_start3A_114 = arith.constant 0 : i32
      %dma_start3A_115 = arith.constant 0 : i32
      %dma_start3A_116 = tpu.memref_slice %arg7[%dma_start3A_114, %dma_start3A_115] : memref<10240x128xf32, #tpu.memory_space<vmem_shared>> -> memref<10240x128xf32, #tpu.memory_space<vmem_shared>>
      tpu.enqueue_indirect_dma source(%arg11 : memref<128x128xf32, #tpu.memory_space<vmem>>) target(%dma_start3A_116 : memref<10240x128xf32, #tpu.memory_space<vmem_shared>>) offsets(%dma_start3A_113 : memref<128xi32, #tpu.memory_space<vmem>>) semaphore(%arg17 : memref<!tpu.dma_semaphore, #tpu.memory_space<semaphore_mem>>) {add = true}
      %mul3A_117 = arith.constant 2 : i32
      %mul3A_118 = arith.muli %mul3A_117, %scan3A_58 : i32
      %add3A_119 = arith.constant 1 : i32
      %add3A_120 = arith.addi %mul3A_118, %add3A_119 : i32
      %dma_wait3A_121 = arith.constant 0 : i32
      %dma_wait3A_122 = arith.constant 0 : i32
      %dma_wait3A_123 = tpu.memref_slice %arg2[%dma_wait3A_121, %dma_wait3A_122] : memref<10240x128xf32, #tpu.memory_space<hbm>> -> memref<10240x128xf32, #tpu.memory_space<hbm>>
      tpu.wait_indirect_dma semaphore(%arg16 : memref<!tpu.dma_semaphore, #tpu.memory_space<semaphore_mem>>) src(%dma_wait3A_123 : memref<10240x128xf32, #tpu.memory_space<hbm>>) dst(%arg12 : memref<128x128xf32, #tpu.memory_space<vmem>>)
      %add3A_124 = arith.constant 2 : i32
      %add3A_125 = arith.addi %add3A_120, %add3A_124 : i32
      %min3A_126 = arith.constant 79 : i32
      %min3A_127 = arith.minsi %add3A_125, %min3A_126 : i32
      %add3A_128 = arith.addi %mul3A_4, %min3A_127 : i32
      %dma_start3A_129 = arith.constant 0 : i32
      %dma_start3A_130 = tpu.memref_slice %arg3[%add3A_128, %dma_start3A_129] : memref<2560x128xi32, #tpu.memory_space<hbm>> -> memref<1x128xi32, #tpu.memory_space<hbm>>
      %dma_start3A_131 = tpu.memref_squeeze %dma_start3A_130 : memref<1x128xi32, #tpu.memory_space<hbm>> -> memref<128xi32, #tpu.memory_space<hbm>>
      %dma_start3A_132 = arith.constant 0 : i32
      %dma_start3A_133 = tpu.memref_slice %arg3[%add3A_128, %dma_start3A_132] : memref<2560x128xi32, #tpu.memory_space<hbm>> -> memref<1x128xi32, #tpu.memory_space<hbm>>
      %dma_start3A_134 = tpu.memref_squeeze %dma_start3A_133 : memref<1x128xi32, #tpu.memory_space<hbm>> -> memref<128xi32, #tpu.memory_space<hbm>>
      tpu.enqueue_dma source(%dma_start3A_134 : memref<128xi32, #tpu.memory_space<hbm>>) target(%arg10 : memref<128xi32, #tpu.memory_space<vmem>>) target_semaphore(%arg14 : memref<!tpu.dma_semaphore, #tpu.memory_space<semaphore_mem>>)
      %dma_start3A_135 = arith.constant 0 : i32
      %dma_start3A_136 = tpu.memref_slice %arg8[%add3A_120, %dma_start3A_135] : memref<80x128xi32, #tpu.memory_space<vmem>> -> memref<1x128xi32, #tpu.memory_space<vmem>>
      %dma_start3A_137 = tpu.memref_squeeze %dma_start3A_136 : memref<1x128xi32, #tpu.memory_space<vmem>> -> memref<128xi32, #tpu.memory_space<vmem>>
      %dma_start3A_138 = arith.constant 0 : i32
      %dma_start3A_139 = arith.constant 0 : i32
      %dma_start3A_140 = tpu.memref_slice %arg7[%dma_start3A_138, %dma_start3A_139] : memref<10240x128xf32, #tpu.memory_space<vmem_shared>> -> memref<10240x128xf32, #tpu.memory_space<vmem_shared>>
      tpu.enqueue_indirect_dma source(%arg12 : memref<128x128xf32, #tpu.memory_space<vmem>>) target(%dma_start3A_140 : memref<10240x128xf32, #tpu.memory_space<vmem_shared>>) offsets(%dma_start3A_137 : memref<128xi32, #tpu.memory_space<vmem>>) semaphore(%arg18 : memref<!tpu.dma_semaphore, #tpu.memory_space<semaphore_mem>>) {add = true}
    }
    %scan3A_24 = arith.constant 40 : i32
    %dma_wait3A = arith.constant 0 : i32
    %dma_wait3A_25 = tpu.memref_slice %arg3[%mul3A_4, %dma_wait3A] : memref<2560x128xi32, #tpu.memory_space<hbm>> -> memref<1x128xi32, #tpu.memory_space<hbm>>
    %dma_wait3A_26 = tpu.memref_squeeze %dma_wait3A_25 : memref<1x128xi32, #tpu.memory_space<hbm>> -> memref<128xi32, #tpu.memory_space<hbm>>
    %dma_wait3A_27 = arith.constant 0 : i32
    %dma_wait3A_28 = tpu.memref_slice %arg3[%mul3A_4, %dma_wait3A_27] : memref<2560x128xi32, #tpu.memory_space<hbm>> -> memref<1x128xi32, #tpu.memory_space<hbm>>
    %dma_wait3A_29 = tpu.memref_squeeze %dma_wait3A_28 : memref<1x128xi32, #tpu.memory_space<hbm>> -> memref<128xi32, #tpu.memory_space<hbm>>
    tpu.wait_dma2 semaphore(%arg13 : memref<!tpu.dma_semaphore, #tpu.memory_space<semaphore_mem>>) src(%dma_wait3A_29 : memref<128xi32, #tpu.memory_space<hbm>>) dst(%arg9 : memref<128xi32, #tpu.memory_space<vmem>>)
    %dma_wait3A_30 = arith.constant 0 : i32
    %dma_wait3A_31 = arith.constant 0 : i32
    %dma_wait3A_32 = tpu.memref_slice %arg8[%dma_wait3A_30, %dma_wait3A_31] : memref<80x128xi32, #tpu.memory_space<vmem>> -> memref<1x128xi32, #tpu.memory_space<vmem>>
    %dma_wait3A_33 = tpu.memref_squeeze %dma_wait3A_32 : memref<1x128xi32, #tpu.memory_space<vmem>> -> memref<128xi32, #tpu.memory_space<vmem>>
    %dma_wait3A_34 = arith.constant 0 : i32
    %dma_wait3A_35 = arith.constant 0 : i32
    %dma_wait3A_36 = tpu.memref_slice %arg7[%dma_wait3A_34, %dma_wait3A_35] : memref<10240x128xf32, #tpu.memory_space<vmem_shared>> -> memref<10240x128xf32, #tpu.memory_space<vmem_shared>>
    tpu.wait_indirect_dma semaphore(%arg17 : memref<!tpu.dma_semaphore, #tpu.memory_space<semaphore_mem>>) src(%arg11 : memref<128x128xf32, #tpu.memory_space<vmem>>) dst(%dma_wait3A_36 : memref<10240x128xf32, #tpu.memory_space<vmem_shared>>)
    %dma_wait3A_37 = arith.constant 0 : i32
    %dma_wait3A_38 = tpu.memref_slice %arg3[%mul3A_4, %dma_wait3A_37] : memref<2560x128xi32, #tpu.memory_space<hbm>> -> memref<1x128xi32, #tpu.memory_space<hbm>>
    %dma_wait3A_39 = tpu.memref_squeeze %dma_wait3A_38 : memref<1x128xi32, #tpu.memory_space<hbm>> -> memref<128xi32, #tpu.memory_space<hbm>>
    %dma_wait3A_40 = arith.constant 0 : i32
    %dma_wait3A_41 = tpu.memref_slice %arg3[%mul3A_4, %dma_wait3A_40] : memref<2560x128xi32, #tpu.memory_space<hbm>> -> memref<1x128xi32, #tpu.memory_space<hbm>>
    %dma_wait3A_42 = tpu.memref_squeeze %dma_wait3A_41 : memref<1x128xi32, #tpu.memory_space<hbm>> -> memref<128xi32, #tpu.memory_space<hbm>>
    tpu.wait_dma2 semaphore(%arg14 : memref<!tpu.dma_semaphore, #tpu.memory_space<semaphore_mem>>) src(%dma_wait3A_42 : memref<128xi32, #tpu.memory_space<hbm>>) dst(%arg10 : memref<128xi32, #tpu.memory_space<vmem>>)
    %dma_wait3A_43 = arith.constant 0 : i32
    %dma_wait3A_44 = arith.constant 0 : i32
    %dma_wait3A_45 = tpu.memref_slice %arg8[%dma_wait3A_43, %dma_wait3A_44] : memref<80x128xi32, #tpu.memory_space<vmem>> -> memref<1x128xi32, #tpu.memory_space<vmem>>
    %dma_wait3A_46 = tpu.memref_squeeze %dma_wait3A_45 : memref<1x128xi32, #tpu.memory_space<vmem>> -> memref<128xi32, #tpu.memory_space<vmem>>
    %dma_wait3A_47 = arith.constant 0 : i32
    %dma_wait3A_48 = arith.constant 0 : i32
    %dma_wait3A_49 = tpu.memref_slice %arg7[%dma_wait3A_47, %dma_wait3A_48] : memref<10240x128xf32, #tpu.memory_space<vmem_shared>> -> memref<10240x128xf32, #tpu.memory_space<vmem_shared>>
    tpu.wait_indirect_dma semaphore(%arg18 : memref<!tpu.dma_semaphore, #tpu.memory_space<semaphore_mem>>) src(%arg12 : memref<128x128xf32, #tpu.memory_space<vmem>>) dst(%dma_wait3A_49 : memref<10240x128xf32, #tpu.memory_space<vmem_shared>>)
    %barrier3A_50 = arith.constant 0 : index
    tpu.barrier barrier_id(%barrier3A_50)
    %eq3A = arith.constant 0 : i32
    %eq3A_51 = arith.cmpi eq, %arg0, %eq3A : i32
    %convert_element_type3A = arith.extui %eq3A_51 : i1 to i32
    %cond3A = arith.constant 0 : i32
    %cond3A_52 = arith.cmpi ne, %convert_element_type3A, %cond3A : i32
    scf.if %cond3A_52 {
      "tpu.region"() ({
        %run_scoped3A = tpu.sem_alloc : memref<!tpu.dma_semaphore, #tpu.memory_space<semaphore_mem>>
        %dma_start3A_58 = arith.constant 0 : i32
        %dma_start3A_59 = tpu.memref_slice %arg5[%mul3A_0, %dma_start3A_58] : memref<10240x128xf32, #tpu.memory_space<hbm>> -> memref<640x128xf32, #tpu.memory_space<hbm>>
        %dma_start3A_60 = arith.constant 0 : i32
        %dma_start3A_61 = tpu.memref_slice %arg7[%mul3A_0, %dma_start3A_60] : memref<10240x128xf32, #tpu.memory_space<vmem_shared>> -> memref<640x128xf32, #tpu.memory_space<vmem_shared>>
        tpu.enqueue_dma source(%dma_start3A_61 : memref<640x128xf32, #tpu.memory_space<vmem_shared>>) target(%dma_start3A_59 : memref<640x128xf32, #tpu.memory_space<hbm>>) target_semaphore(%run_scoped3A : memref<!tpu.dma_semaphore, #tpu.memory_space<semaphore_mem>>)
        %dma_wait3A_62 = arith.constant 0 : i32
        %dma_wait3A_63 = tpu.memref_slice %arg5[%mul3A_0, %dma_wait3A_62] : memref<10240x128xf32, #tpu.memory_space<hbm>> -> memref<640x128xf32, #tpu.memory_space<hbm>>
        %dma_wait3A_64 = arith.constant 0 : i32
        %dma_wait3A_65 = tpu.memref_slice %arg7[%mul3A_0, %dma_wait3A_64] : memref<10240x128xf32, #tpu.memory_space<vmem_shared>> -> memref<640x128xf32, #tpu.memory_space<vmem_shared>>
        tpu.wait_dma2 semaphore(%run_scoped3A : memref<!tpu.dma_semaphore, #tpu.memory_space<semaphore_mem>>) src(%dma_wait3A_65 : memref<640x128xf32, #tpu.memory_space<vmem_shared>>) dst(%dma_wait3A_63 : memref<640x128xf32, #tpu.memory_space<hbm>>)
        tpu.yield
      }) : () -> ()
    } else {
    }
    %eq3A_53 = arith.constant 1 : i32
    %eq3A_54 = arith.cmpi eq, %arg0, %eq3A_53 : i32
    %convert_element_type3A_55 = arith.extui %eq3A_54 : i1 to i32
    %cond3A_56 = arith.constant 0 : i32
    %cond3A_57 = arith.cmpi ne, %convert_element_type3A_55, %cond3A_56 : i32
    scf.if %cond3A_57 {
      "tpu.region"() ({
        %run_scoped3A = tpu.sem_alloc : memref<!tpu.dma_semaphore, #tpu.memory_space<semaphore_mem>>
        %dma_start3A_58 = arith.constant 0 : i32
        %dma_start3A_59 = tpu.memref_slice %arg6[%mul3A_0, %dma_start3A_58] : memref<10240x128xf32, #tpu.memory_space<hbm>> -> memref<640x128xf32, #tpu.memory_space<hbm>>
        %dma_start3A_60 = arith.constant 0 : i32
        %dma_start3A_61 = tpu.memref_slice %arg7[%mul3A_0, %dma_start3A_60] : memref<10240x128xf32, #tpu.memory_space<vmem_shared>> -> memref<640x128xf32, #tpu.memory_space<vmem_shared>>
        tpu.enqueue_dma source(%dma_start3A_61 : memref<640x128xf32, #tpu.memory_space<vmem_shared>>) target(%dma_start3A_59 : memref<640x128xf32, #tpu.memory_space<hbm>>) target_semaphore(%run_scoped3A : memref<!tpu.dma_semaphore, #tpu.memory_space<semaphore_mem>>)
        %dma_wait3A_62 = arith.constant 0 : i32
        %dma_wait3A_63 = tpu.memref_slice %arg6[%mul3A_0, %dma_wait3A_62] : memref<10240x128xf32, #tpu.memory_space<hbm>> -> memref<640x128xf32, #tpu.memory_space<hbm>>
        %dma_wait3A_64 = arith.constant 0 : i32
        %dma_wait3A_65 = tpu.memref_slice %arg7[%mul3A_0, %dma_wait3A_64] : memref<10240x128xf32, #tpu.memory_space<vmem_shared>> -> memref<640x128xf32, #tpu.memory_space<vmem_shared>>
        tpu.wait_dma2 semaphore(%run_scoped3A : memref<!tpu.dma_semaphore, #tpu.memory_space<semaphore_mem>>) src(%dma_wait3A_65 : memref<640x128xf32, #tpu.memory_space<vmem_shared>>) dst(%dma_wait3A_63 : memref<640x128xf32, #tpu.memory_space<hbm>>)
        tpu.yield
      }) : () -> ()
    } else {
    }
    return
  }
}

#map = affine_map<(d0, d1) -> (0, 0)>
module attributes {stable_mosaic.version = 14 : i64} {
  func.func @_agg_body(%arg0: i32, %arg1: i32, %arg2: memref<10240x128xf32, #tpu.memory_space<hbm>>, %arg3: memref<2560x128xi32, #tpu.memory_space<hbm>>, %arg4: memref<2560x128xi32, #tpu.memory_space<hbm>>, %arg5: memref<10240x128xf32, #tpu.memory_space<hbm>>, %arg6: memref<10240x128xf32, #tpu.memory_space<hbm>>, %arg7: memref<10240x128xf32, #tpu.memory_space<vmem_shared>>, %arg8: memref<80x128xi32, #tpu.memory_space<vmem>>, %arg9: memref<128xi32, #tpu.memory_space<vmem>>, %arg10: memref<128xi32, #tpu.memory_space<vmem>>, %arg11: memref<128x128xf32, #tpu.memory_space<vmem>>, %arg12: memref<128x128xf32, #tpu.memory_space<vmem>>, %arg13: memref<!tpu.dma_semaphore, #tpu.memory_space<semaphore_mem>>, %arg14: memref<!tpu.dma_semaphore, #tpu.memory_space<semaphore_mem>>, %arg15: memref<!tpu.dma_semaphore, #tpu.memory_space<semaphore_mem>>, %arg16: memref<!tpu.dma_semaphore, #tpu.memory_space<semaphore_mem>>, %arg17: memref<!tpu.dma_semaphore, #tpu.memory_space<semaphore_mem>>, %arg18: memref<!tpu.dma_semaphore, #tpu.memory_space<semaphore_mem>>) attributes {dimension_semantics = [#tpu.dimension_semantics<core_parallel>, #tpu.dimension_semantics<subcore_parallel>], iteration_bounds = array<i64: 2, 16>, scalar_prefetch = 0 : i64, scratch_operands = 12 : i64, tpu.core_type = #tpu.core_type<sc_vector_subcore>, window_params = [{transform_indices = #map}, {transform_indices = #map}, {transform_indices = #map}, {transform_indices = #map}, {transform_indices = #map}]} {
    %mul3A = arith.constant 640 : i32
    %mul3A_0 = arith.muli %arg1, %mul3A : i32
    "tpu.region"() ({
      %run_scoped3A = tpu.sem_alloc : memref<!tpu.dma_semaphore, #tpu.memory_space<semaphore_mem>>
      %dma_start3A_58 = arith.constant 0 : i32
      %dma_start3A_59 = tpu.memref_slice %arg7[%mul3A_0, %dma_start3A_58] : memref<10240x128xf32, #tpu.memory_space<vmem_shared>> -> memref<640x128xf32, #tpu.memory_space<vmem_shared>>
      %dma_start3A_60 = arith.constant 0 : i32
      %dma_start3A_61 = tpu.memref_slice %arg2[%mul3A_0, %dma_start3A_60] : memref<10240x128xf32, #tpu.memory_space<hbm>> -> memref<640x128xf32, #tpu.memory_space<hbm>>
      tpu.enqueue_dma source(%dma_start3A_61 : memref<640x128xf32, #tpu.memory_space<hbm>>) target(%dma_start3A_59 : memref<640x128xf32, #tpu.memory_space<vmem_shared>>) target_semaphore(%run_scoped3A : memref<!tpu.dma_semaphore, #tpu.memory_space<semaphore_mem>>)
      %dma_wait3A_62 = arith.constant 0 : i32
      %dma_wait3A_63 = tpu.memref_slice %arg7[%mul3A_0, %dma_wait3A_62] : memref<10240x128xf32, #tpu.memory_space<vmem_shared>> -> memref<640x128xf32, #tpu.memory_space<vmem_shared>>
      %dma_wait3A_64 = arith.constant 0 : i32
      %dma_wait3A_65 = tpu.memref_slice %arg2[%mul3A_0, %dma_wait3A_64] : memref<10240x128xf32, #tpu.memory_space<hbm>> -> memref<640x128xf32, #tpu.memory_space<hbm>>
      tpu.wait_dma2 semaphore(%run_scoped3A : memref<!tpu.dma_semaphore, #tpu.memory_space<semaphore_mem>>) src(%dma_wait3A_65 : memref<640x128xf32, #tpu.memory_space<hbm>>) dst(%dma_wait3A_63 : memref<640x128xf32, #tpu.memory_space<vmem_shared>>)
      tpu.yield
    }) : () -> ()
    %mul3A_1 = arith.constant 16 : i32
    %mul3A_2 = arith.muli %arg0, %mul3A_1 : i32
    %add3A = arith.addi %mul3A_2, %arg1 : i32
    %mul3A_3 = arith.constant 80 : i32
    %mul3A_4 = arith.muli %add3A, %mul3A_3 : i32
    "tpu.region"() ({
      %run_scoped3A = tpu.sem_alloc : memref<!tpu.dma_semaphore, #tpu.memory_space<semaphore_mem>>
      %dma_start3A_58 = arith.constant 0 : i32
      %dma_start3A_59 = tpu.memref_slice %arg4[%mul3A_4, %dma_start3A_58] : memref<2560x128xi32, #tpu.memory_space<hbm>> -> memref<80x128xi32, #tpu.memory_space<hbm>>
      %dma_start3A_60 = arith.constant 0 : i32
      %dma_start3A_61 = tpu.memref_slice %arg4[%mul3A_4, %dma_start3A_60] : memref<2560x128xi32, #tpu.memory_space<hbm>> -> memref<80x128xi32, #tpu.memory_space<hbm>>
      tpu.enqueue_dma source(%dma_start3A_61 : memref<80x128xi32, #tpu.memory_space<hbm>>) target(%arg8 : memref<80x128xi32, #tpu.memory_space<vmem>>) target_semaphore(%run_scoped3A : memref<!tpu.dma_semaphore, #tpu.memory_space<semaphore_mem>>)
      %dma_wait3A_62 = arith.constant 0 : i32
      %dma_wait3A_63 = tpu.memref_slice %arg4[%mul3A_4, %dma_wait3A_62] : memref<2560x128xi32, #tpu.memory_space<hbm>> -> memref<80x128xi32, #tpu.memory_space<hbm>>
      %dma_wait3A_64 = arith.constant 0 : i32
      %dma_wait3A_65 = tpu.memref_slice %arg4[%mul3A_4, %dma_wait3A_64] : memref<2560x128xi32, #tpu.memory_space<hbm>> -> memref<80x128xi32, #tpu.memory_space<hbm>>
      tpu.wait_dma2 semaphore(%run_scoped3A : memref<!tpu.dma_semaphore, #tpu.memory_space<semaphore_mem>>) src(%dma_wait3A_65 : memref<80x128xi32, #tpu.memory_space<hbm>>) dst(%arg8 : memref<80x128xi32, #tpu.memory_space<vmem>>)
      tpu.yield
    }) : () -> ()
    %add3A_5 = arith.constant 0 : i32
    %add3A_6 = arith.addi %mul3A_4, %add3A_5 : i32
    %dma_start3A = arith.constant 0 : i32
    %dma_start3A_7 = tpu.memref_slice %arg3[%add3A_6, %dma_start3A] : memref<2560x128xi32, #tpu.memory_space<hbm>> -> memref<1x128xi32, #tpu.memory_space<hbm>>
    %dma_start3A_8 = tpu.memref_squeeze %dma_start3A_7 : memref<1x128xi32, #tpu.memory_space<hbm>> -> memref<128xi32, #tpu.memory_space<hbm>>
    %dma_start3A_9 = arith.constant 0 : i32
    %dma_start3A_10 = tpu.memref_slice %arg3[%add3A_6, %dma_start3A_9] : memref<2560x128xi32, #tpu.memory_space<hbm>> -> memref<1x128xi32, #tpu.memory_space<hbm>>
    %dma_start3A_11 = tpu.memref_squeeze %dma_start3A_10 : memref<1x128xi32, #tpu.memory_space<hbm>> -> memref<128xi32, #tpu.memory_space<hbm>>
    tpu.enqueue_dma source(%dma_start3A_11 : memref<128xi32, #tpu.memory_space<hbm>>) target(%arg9 : memref<128xi32, #tpu.memory_space<vmem>>) target_semaphore(%arg13 : memref<!tpu.dma_semaphore, #tpu.memory_space<semaphore_mem>>)
    %add3A_12 = arith.constant 1 : i32
    %add3A_13 = arith.addi %mul3A_4, %add3A_12 : i32
    %dma_start3A_14 = arith.constant 0 : i32
    %dma_start3A_15 = tpu.memref_slice %arg3[%add3A_13, %dma_start3A_14] : memref<2560x128xi32, #tpu.memory_space<hbm>> -> memref<1x128xi32, #tpu.memory_space<hbm>>
    %dma_start3A_16 = tpu.memref_squeeze %dma_start3A_15 : memref<1x128xi32, #tpu.memory_space<hbm>> -> memref<128xi32, #tpu.memory_space<hbm>>
    %dma_start3A_17 = arith.constant 0 : i32
    %dma_start3A_18 = tpu.memref_slice %arg3[%add3A_13, %dma_start3A_17] : memref<2560x128xi32, #tpu.memory_space<hbm>> -> memref<1x128xi32, #tpu.memory_space<hbm>>
    %dma_start3A_19 = tpu.memref_squeeze %dma_start3A_18 : memref<1x128xi32, #tpu.memory_space<hbm>> -> memref<128xi32, #tpu.memory_space<hbm>>
    tpu.enqueue_dma source(%dma_start3A_19 : memref<128xi32, #tpu.memory_space<hbm>>) target(%arg10 : memref<128xi32, #tpu.memory_space<vmem>>) target_semaphore(%arg14 : memref<!tpu.dma_semaphore, #tpu.memory_space<semaphore_mem>>)
    %barrier3A = arith.constant 0 : index
    tpu.barrier barrier_id(%barrier3A)
    %scan3A = arith.constant 0 : i32
    %scan3A_20 = arith.constant 0 : i32
    %scan3A_21 = arith.constant 40 : i32
    %scan3A_22 = arith.addi %scan3A_20, %scan3A_21 : i32
    %scan3A_23 = arith.constant 1 : i32
    scf.for %scan3A_58 = %scan3A_20 to %scan3A_22 step %scan3A_23  : i32 {
      %mul3A_59 = arith.constant 2 : i32
      %mul3A_60 = arith.muli %mul3A_59, %scan3A_58 : i32
      %add3A_61 = arith.constant 0 : i32
      %add3A_62 = arith.addi %mul3A_60, %add3A_61 : i32
      %dma_wait3A_63 = arith.constant 0 : i32
      %dma_wait3A_64 = tpu.memref_slice %arg3[%mul3A_4, %dma_wait3A_63] : memref<2560x128xi32, #tpu.memory_space<hbm>> -> memref<1x128xi32, #tpu.memory_space<hbm>>
      %dma_wait3A_65 = tpu.memref_squeeze %dma_wait3A_64 : memref<1x128xi32, #tpu.memory_space<hbm>> -> memref<128xi32, #tpu.memory_space<hbm>>
      %dma_wait3A_66 = arith.constant 0 : i32
      %dma_wait3A_67 = tpu.memref_slice %arg3[%mul3A_4, %dma_wait3A_66] : memref<2560x128xi32, #tpu.memory_space<hbm>> -> memref<1x128xi32, #tpu.memory_space<hbm>>
      %dma_wait3A_68 = tpu.memref_squeeze %dma_wait3A_67 : memref<1x128xi32, #tpu.memory_space<hbm>> -> memref<128xi32, #tpu.memory_space<hbm>>
      tpu.wait_dma2 semaphore(%arg13 : memref<!tpu.dma_semaphore, #tpu.memory_space<semaphore_mem>>) src(%dma_wait3A_68 : memref<128xi32, #tpu.memory_space<hbm>>) dst(%arg9 : memref<128xi32, #tpu.memory_space<vmem>>)
      %gt3A = arith.constant 0 : i32
      %gt3A_69 = arith.cmpi sgt, %scan3A_58, %gt3A : i32
      %convert_element_type3A_70 = arith.extui %gt3A_69 : i1 to i32
      %cond3A_71 = arith.constant 0 : i32
      %cond3A_72 = arith.cmpi ne, %convert_element_type3A_70, %cond3A_71 : i32
      scf.if %cond3A_72 {
        %dma_wait3A_141 = arith.constant 0 : i32
        %dma_wait3A_142 = arith.constant 0 : i32
        %dma_wait3A_143 = tpu.memref_slice %arg8[%dma_wait3A_141, %dma_wait3A_142] : memref<80x128xi32, #tpu.memory_space<vmem>> -> memref<1x128xi32, #tpu.memory_space<vmem>>
        %dma_wait3A_144 = tpu.memref_squeeze %dma_wait3A_143 : memref<1x128xi32, #tpu.memory_space<vmem>> -> memref<128xi32, #tpu.memory_space<vmem>>
        %dma_wait3A_145 = arith.constant 0 : i32
        %dma_wait3A_146 = arith.constant 0 : i32
        %dma_wait3A_147 = tpu.memref_slice %arg7[%dma_wait3A_145, %dma_wait3A_146] : memref<10240x128xf32, #tpu.memory_space<vmem_shared>> -> memref<10240x128xf32, #tpu.memory_space<vmem_shared>>
        tpu.wait_indirect_dma semaphore(%arg17 : memref<!tpu.dma_semaphore, #tpu.memory_space<semaphore_mem>>) src(%arg11 : memref<128x128xf32, #tpu.memory_space<vmem>>) dst(%dma_wait3A_147 : memref<10240x128xf32, #tpu.memory_space<vmem_shared>>)
      } else {
      }
      %dma_start3A_73 = arith.constant 0 : i32
      %dma_start3A_74 = arith.constant 0 : i32
      %dma_start3A_75 = tpu.memref_slice %arg2[%dma_start3A_73, %dma_start3A_74] : memref<10240x128xf32, #tpu.memory_space<hbm>> -> memref<10240x128xf32, #tpu.memory_space<hbm>>
      tpu.enqueue_indirect_dma source(%dma_start3A_75 : memref<10240x128xf32, #tpu.memory_space<hbm>>) target(%arg11 : memref<128x128xf32, #tpu.memory_space<vmem>>) offsets(%arg9 : memref<128xi32, #tpu.memory_space<vmem>>) semaphore(%arg15 : memref<!tpu.dma_semaphore, #tpu.memory_space<semaphore_mem>>)
      %mul3A_76 = arith.constant 2 : i32
      %mul3A_77 = arith.muli %mul3A_76, %scan3A_58 : i32
      %add3A_78 = arith.constant 1 : i32
      %add3A_79 = arith.addi %mul3A_77, %add3A_78 : i32
      %dma_wait3A_80 = arith.constant 0 : i32
      %dma_wait3A_81 = tpu.memref_slice %arg3[%mul3A_4, %dma_wait3A_80] : memref<2560x128xi32, #tpu.memory_space<hbm>> -> memref<1x128xi32, #tpu.memory_space<hbm>>
      %dma_wait3A_82 = tpu.memref_squeeze %dma_wait3A_81 : memref<1x128xi32, #tpu.memory_space<hbm>> -> memref<128xi32, #tpu.memory_space<hbm>>
      %dma_wait3A_83 = arith.constant 0 : i32
      %dma_wait3A_84 = tpu.memref_slice %arg3[%mul3A_4, %dma_wait3A_83] : memref<2560x128xi32, #tpu.memory_space<hbm>> -> memref<1x128xi32, #tpu.memory_space<hbm>>
      %dma_wait3A_85 = tpu.memref_squeeze %dma_wait3A_84 : memref<1x128xi32, #tpu.memory_space<hbm>> -> memref<128xi32, #tpu.memory_space<hbm>>
      tpu.wait_dma2 semaphore(%arg14 : memref<!tpu.dma_semaphore, #tpu.memory_space<semaphore_mem>>) src(%dma_wait3A_85 : memref<128xi32, #tpu.memory_space<hbm>>) dst(%arg10 : memref<128xi32, #tpu.memory_space<vmem>>)
      %gt3A_86 = arith.constant 0 : i32
      %gt3A_87 = arith.cmpi sgt, %scan3A_58, %gt3A_86 : i32
      %convert_element_type3A_88 = arith.extui %gt3A_87 : i1 to i32
      %cond3A_89 = arith.constant 0 : i32
      %cond3A_90 = arith.cmpi ne, %convert_element_type3A_88, %cond3A_89 : i32
      scf.if %cond3A_90 {
        %dma_wait3A_141 = arith.constant 0 : i32
        %dma_wait3A_142 = arith.constant 0 : i32
        %dma_wait3A_143 = tpu.memref_slice %arg8[%dma_wait3A_141, %dma_wait3A_142] : memref<80x128xi32, #tpu.memory_space<vmem>> -> memref<1x128xi32, #tpu.memory_space<vmem>>
        %dma_wait3A_144 = tpu.memref_squeeze %dma_wait3A_143 : memref<1x128xi32, #tpu.memory_space<vmem>> -> memref<128xi32, #tpu.memory_space<vmem>>
        %dma_wait3A_145 = arith.constant 0 : i32
        %dma_wait3A_146 = arith.constant 0 : i32
        %dma_wait3A_147 = tpu.memref_slice %arg7[%dma_wait3A_145, %dma_wait3A_146] : memref<10240x128xf32, #tpu.memory_space<vmem_shared>> -> memref<10240x128xf32, #tpu.memory_space<vmem_shared>>
        tpu.wait_indirect_dma semaphore(%arg18 : memref<!tpu.dma_semaphore, #tpu.memory_space<semaphore_mem>>) src(%arg12 : memref<128x128xf32, #tpu.memory_space<vmem>>) dst(%dma_wait3A_147 : memref<10240x128xf32, #tpu.memory_space<vmem_shared>>)
      } else {
      }
      %dma_start3A_91 = arith.constant 0 : i32
      %dma_start3A_92 = arith.constant 0 : i32
      %dma_start3A_93 = tpu.memref_slice %arg2[%dma_start3A_91, %dma_start3A_92] : memref<10240x128xf32, #tpu.memory_space<hbm>> -> memref<10240x128xf32, #tpu.memory_space<hbm>>
      tpu.enqueue_indirect_dma source(%dma_start3A_93 : memref<10240x128xf32, #tpu.memory_space<hbm>>) target(%arg12 : memref<128x128xf32, #tpu.memory_space<vmem>>) offsets(%arg10 : memref<128xi32, #tpu.memory_space<vmem>>) semaphore(%arg16 : memref<!tpu.dma_semaphore, #tpu.memory_space<semaphore_mem>>)
      %mul3A_94 = arith.constant 2 : i32
      %mul3A_95 = arith.muli %mul3A_94, %scan3A_58 : i32
      %add3A_96 = arith.constant 0 : i32
      %add3A_97 = arith.addi %mul3A_95, %add3A_96 : i32
      %dma_wait3A_98 = arith.constant 0 : i32
      %dma_wait3A_99 = arith.constant 0 : i32
      %dma_wait3A_100 = tpu.memref_slice %arg2[%dma_wait3A_98, %dma_wait3A_99] : memref<10240x128xf32, #tpu.memory_space<hbm>> -> memref<10240x128xf32, #tpu.memory_space<hbm>>
      tpu.wait_indirect_dma semaphore(%arg15 : memref<!tpu.dma_semaphore, #tpu.memory_space<semaphore_mem>>) src(%dma_wait3A_100 : memref<10240x128xf32, #tpu.memory_space<hbm>>) dst(%arg11 : memref<128x128xf32, #tpu.memory_space<vmem>>)
      %add3A_101 = arith.constant 2 : i32
      %add3A_102 = arith.addi %add3A_97, %add3A_101 : i32
      %min3A = arith.constant 79 : i32
      %min3A_103 = arith.minsi %add3A_102, %min3A : i32
      %add3A_104 = arith.addi %mul3A_4, %min3A_103 : i32
      %dma_start3A_105 = arith.constant 0 : i32
      %dma_start3A_106 = tpu.memref_slice %arg3[%add3A_104, %dma_start3A_105] : memref<2560x128xi32, #tpu.memory_space<hbm>> -> memref<1x128xi32, #tpu.memory_space<hbm>>
      %dma_start3A_107 = tpu.memref_squeeze %dma_start3A_106 : memref<1x128xi32, #tpu.memory_space<hbm>> -> memref<128xi32, #tpu.memory_space<hbm>>
      %dma_start3A_108 = arith.constant 0 : i32
      %dma_start3A_109 = tpu.memref_slice %arg3[%add3A_104, %dma_start3A_108] : memref<2560x128xi32, #tpu.memory_space<hbm>> -> memref<1x128xi32, #tpu.memory_space<hbm>>
      %dma_start3A_110 = tpu.memref_squeeze %dma_start3A_109 : memref<1x128xi32, #tpu.memory_space<hbm>> -> memref<128xi32, #tpu.memory_space<hbm>>
      tpu.enqueue_dma source(%dma_start3A_110 : memref<128xi32, #tpu.memory_space<hbm>>) target(%arg9 : memref<128xi32, #tpu.memory_space<vmem>>) target_semaphore(%arg13 : memref<!tpu.dma_semaphore, #tpu.memory_space<semaphore_mem>>)
      %dma_start3A_111 = arith.constant 0 : i32
      %dma_start3A_112 = tpu.memref_slice %arg8[%add3A_97, %dma_start3A_111] : memref<80x128xi32, #tpu.memory_space<vmem>> -> memref<1x128xi32, #tpu.memory_space<vmem>>
      %dma_start3A_113 = tpu.memref_squeeze %dma_start3A_112 : memref<1x128xi32, #tpu.memory_space<vmem>> -> memref<128xi32, #tpu.memory_space<vmem>>
      %dma_start3A_114 = arith.constant 0 : i32
      %dma_start3A_115 = arith.constant 0 : i32
      %dma_start3A_116 = tpu.memref_slice %arg7[%dma_start3A_114, %dma_start3A_115] : memref<10240x128xf32, #tpu.memory_space<vmem_shared>> -> memref<10240x128xf32, #tpu.memory_space<vmem_shared>>
      tpu.enqueue_indirect_dma source(%arg11 : memref<128x128xf32, #tpu.memory_space<vmem>>) target(%dma_start3A_116 : memref<10240x128xf32, #tpu.memory_space<vmem_shared>>) offsets(%dma_start3A_113 : memref<128xi32, #tpu.memory_space<vmem>>) semaphore(%arg17 : memref<!tpu.dma_semaphore, #tpu.memory_space<semaphore_mem>>) {add = true}
      %mul3A_117 = arith.constant 2 : i32
      %mul3A_118 = arith.muli %mul3A_117, %scan3A_58 : i32
      %add3A_119 = arith.constant 1 : i32
      %add3A_120 = arith.addi %mul3A_118, %add3A_119 : i32
      %dma_wait3A_121 = arith.constant 0 : i32
      %dma_wait3A_122 = arith.constant 0 : i32
      %dma_wait3A_123 = tpu.memref_slice %arg2[%dma_wait3A_121, %dma_wait3A_122] : memref<10240x128xf32, #tpu.memory_space<hbm>> -> memref<10240x128xf32, #tpu.memory_space<hbm>>
      tpu.wait_indirect_dma semaphore(%arg16 : memref<!tpu.dma_semaphore, #tpu.memory_space<semaphore_mem>>) src(%dma_wait3A_123 : memref<10240x128xf32, #tpu.memory_space<hbm>>) dst(%arg12 : memref<128x128xf32, #tpu.memory_space<vmem>>)
      %add3A_124 = arith.constant 2 : i32
      %add3A_125 = arith.addi %add3A_120, %add3A_124 : i32
      %min3A_126 = arith.constant 79 : i32
      %min3A_127 = arith.minsi %add3A_125, %min3A_126 : i32
      %add3A_128 = arith.addi %mul3A_4, %min3A_127 : i32
      %dma_start3A_129 = arith.constant 0 : i32
      %dma_start3A_130 = tpu.memref_slice %arg3[%add3A_128, %dma_start3A_129] : memref<2560x128xi32, #tpu.memory_space<hbm>> -> memref<1x128xi32, #tpu.memory_space<hbm>>
      %dma_start3A_131 = tpu.memref_squeeze %dma_start3A_130 : memref<1x128xi32, #tpu.memory_space<hbm>> -> memref<128xi32, #tpu.memory_space<hbm>>
      %dma_start3A_132 = arith.constant 0 : i32
      %dma_start3A_133 = tpu.memref_slice %arg3[%add3A_128, %dma_start3A_132] : memref<2560x128xi32, #tpu.memory_space<hbm>> -> memref<1x128xi32, #tpu.memory_space<hbm>>
      %dma_start3A_134 = tpu.memref_squeeze %dma_start3A_133 : memref<1x128xi32, #tpu.memory_space<hbm>> -> memref<128xi32, #tpu.memory_space<hbm>>
      tpu.enqueue_dma source(%dma_start3A_134 : memref<128xi32, #tpu.memory_space<hbm>>) target(%arg10 : memref<128xi32, #tpu.memory_space<vmem>>) target_semaphore(%arg14 : memref<!tpu.dma_semaphore, #tpu.memory_space<semaphore_mem>>)
      %dma_start3A_135 = arith.constant 0 : i32
      %dma_start3A_136 = tpu.memref_slice %arg8[%add3A_120, %dma_start3A_135] : memref<80x128xi32, #tpu.memory_space<vmem>> -> memref<1x128xi32, #tpu.memory_space<vmem>>
      %dma_start3A_137 = tpu.memref_squeeze %dma_start3A_136 : memref<1x128xi32, #tpu.memory_space<vmem>> -> memref<128xi32, #tpu.memory_space<vmem>>
      %dma_start3A_138 = arith.constant 0 : i32
      %dma_start3A_139 = arith.constant 0 : i32
      %dma_start3A_140 = tpu.memref_slice %arg7[%dma_start3A_138, %dma_start3A_139] : memref<10240x128xf32, #tpu.memory_space<vmem_shared>> -> memref<10240x128xf32, #tpu.memory_space<vmem_shared>>
      tpu.enqueue_indirect_dma source(%arg12 : memref<128x128xf32, #tpu.memory_space<vmem>>) target(%dma_start3A_140 : memref<10240x128xf32, #tpu.memory_space<vmem_shared>>) offsets(%dma_start3A_137 : memref<128xi32, #tpu.memory_space<vmem>>) semaphore(%arg18 : memref<!tpu.dma_semaphore, #tpu.memory_space<semaphore_mem>>) {add = true}
    }
    %scan3A_24 = arith.constant 40 : i32
    %dma_wait3A = arith.constant 0 : i32
    %dma_wait3A_25 = tpu.memref_slice %arg3[%mul3A_4, %dma_wait3A] : memref<2560x128xi32, #tpu.memory_space<hbm>> -> memref<1x128xi32, #tpu.memory_space<hbm>>
    %dma_wait3A_26 = tpu.memref_squeeze %dma_wait3A_25 : memref<1x128xi32, #tpu.memory_space<hbm>> -> memref<128xi32, #tpu.memory_space<hbm>>
    %dma_wait3A_27 = arith.constant 0 : i32
    %dma_wait3A_28 = tpu.memref_slice %arg3[%mul3A_4, %dma_wait3A_27] : memref<2560x128xi32, #tpu.memory_space<hbm>> -> memref<1x128xi32, #tpu.memory_space<hbm>>
    %dma_wait3A_29 = tpu.memref_squeeze %dma_wait3A_28 : memref<1x128xi32, #tpu.memory_space<hbm>> -> memref<128xi32, #tpu.memory_space<hbm>>
    tpu.wait_dma2 semaphore(%arg13 : memref<!tpu.dma_semaphore, #tpu.memory_space<semaphore_mem>>) src(%dma_wait3A_29 : memref<128xi32, #tpu.memory_space<hbm>>) dst(%arg9 : memref<128xi32, #tpu.memory_space<vmem>>)
    %dma_wait3A_30 = arith.constant 0 : i32
    %dma_wait3A_31 = arith.constant 0 : i32
    %dma_wait3A_32 = tpu.memref_slice %arg8[%dma_wait3A_30, %dma_wait3A_31] : memref<80x128xi32, #tpu.memory_space<vmem>> -> memref<1x128xi32, #tpu.memory_space<vmem>>
    %dma_wait3A_33 = tpu.memref_squeeze %dma_wait3A_32 : memref<1x128xi32, #tpu.memory_space<vmem>> -> memref<128xi32, #tpu.memory_space<vmem>>
    %dma_wait3A_34 = arith.constant 0 : i32
    %dma_wait3A_35 = arith.constant 0 : i32
    %dma_wait3A_36 = tpu.memref_slice %arg7[%dma_wait3A_34, %dma_wait3A_35] : memref<10240x128xf32, #tpu.memory_space<vmem_shared>> -> memref<10240x128xf32, #tpu.memory_space<vmem_shared>>
    tpu.wait_indirect_dma semaphore(%arg17 : memref<!tpu.dma_semaphore, #tpu.memory_space<semaphore_mem>>) src(%arg11 : memref<128x128xf32, #tpu.memory_space<vmem>>) dst(%dma_wait3A_36 : memref<10240x128xf32, #tpu.memory_space<vmem_shared>>)
    %dma_wait3A_37 = arith.constant 0 : i32
    %dma_wait3A_38 = tpu.memref_slice %arg3[%mul3A_4, %dma_wait3A_37] : memref<2560x128xi32, #tpu.memory_space<hbm>> -> memref<1x128xi32, #tpu.memory_space<hbm>>
    %dma_wait3A_39 = tpu.memref_squeeze %dma_wait3A_38 : memref<1x128xi32, #tpu.memory_space<hbm>> -> memref<128xi32, #tpu.memory_space<hbm>>
    %dma_wait3A_40 = arith.constant 0 : i32
    %dma_wait3A_41 = tpu.memref_slice %arg3[%mul3A_4, %dma_wait3A_40] : memref<2560x128xi32, #tpu.memory_space<hbm>> -> memref<1x128xi32, #tpu.memory_space<hbm>>
    %dma_wait3A_42 = tpu.memref_squeeze %dma_wait3A_41 : memref<1x128xi32, #tpu.memory_space<hbm>> -> memref<128xi32, #tpu.memory_space<hbm>>
    tpu.wait_dma2 semaphore(%arg14 : memref<!tpu.dma_semaphore, #tpu.memory_space<semaphore_mem>>) src(%dma_wait3A_42 : memref<128xi32, #tpu.memory_space<hbm>>) dst(%arg10 : memref<128xi32, #tpu.memory_space<vmem>>)
    %dma_wait3A_43 = arith.constant 0 : i32
    %dma_wait3A_44 = arith.constant 0 : i32
    %dma_wait3A_45 = tpu.memref_slice %arg8[%dma_wait3A_43, %dma_wait3A_44] : memref<80x128xi32, #tpu.memory_space<vmem>> -> memref<1x128xi32, #tpu.memory_space<vmem>>
    %dma_wait3A_46 = tpu.memref_squeeze %dma_wait3A_45 : memref<1x128xi32, #tpu.memory_space<vmem>> -> memref<128xi32, #tpu.memory_space<vmem>>
    %dma_wait3A_47 = arith.constant 0 : i32
    %dma_wait3A_48 = arith.constant 0 : i32
    %dma_wait3A_49 = tpu.memref_slice %arg7[%dma_wait3A_47, %dma_wait3A_48] : memref<10240x128xf32, #tpu.memory_space<vmem_shared>> -> memref<10240x128xf32, #tpu.memory_space<vmem_shared>>
    tpu.wait_indirect_dma semaphore(%arg18 : memref<!tpu.dma_semaphore, #tpu.memory_space<semaphore_mem>>) src(%arg12 : memref<128x128xf32, #tpu.memory_space<vmem>>) dst(%dma_wait3A_49 : memref<10240x128xf32, #tpu.memory_space<vmem_shared>>)
    %barrier3A_50 = arith.constant 0 : index
    tpu.barrier barrier_id(%barrier3A_50)
    %eq3A = arith.constant 0 : i32
    %eq3A_51 = arith.cmpi eq, %arg0, %eq3A : i32
    %convert_element_type3A = arith.extui %eq3A_51 : i1 to i32
    %cond3A = arith.constant 0 : i32
    %cond3A_52 = arith.cmpi ne, %convert_element_type3A, %cond3A : i32
    scf.if %cond3A_52 {
      "tpu.region"() ({
        %run_scoped3A = tpu.sem_alloc : memref<!tpu.dma_semaphore, #tpu.memory_space<semaphore_mem>>
        %dma_start3A_58 = arith.constant 0 : i32
        %dma_start3A_59 = tpu.memref_slice %arg5[%mul3A_0, %dma_start3A_58] : memref<10240x128xf32, #tpu.memory_space<hbm>> -> memref<640x128xf32, #tpu.memory_space<hbm>>
        %dma_start3A_60 = arith.constant 0 : i32
        %dma_start3A_61 = tpu.memref_slice %arg7[%mul3A_0, %dma_start3A_60] : memref<10240x128xf32, #tpu.memory_space<vmem_shared>> -> memref<640x128xf32, #tpu.memory_space<vmem_shared>>
        tpu.enqueue_dma source(%dma_start3A_61 : memref<640x128xf32, #tpu.memory_space<vmem_shared>>) target(%dma_start3A_59 : memref<640x128xf32, #tpu.memory_space<hbm>>) target_semaphore(%run_scoped3A : memref<!tpu.dma_semaphore, #tpu.memory_space<semaphore_mem>>)
        %dma_wait3A_62 = arith.constant 0 : i32
        %dma_wait3A_63 = tpu.memref_slice %arg5[%mul3A_0, %dma_wait3A_62] : memref<10240x128xf32, #tpu.memory_space<hbm>> -> memref<640x128xf32, #tpu.memory_space<hbm>>
        %dma_wait3A_64 = arith.constant 0 : i32
        %dma_wait3A_65 = tpu.memref_slice %arg7[%mul3A_0, %dma_wait3A_64] : memref<10240x128xf32, #tpu.memory_space<vmem_shared>> -> memref<640x128xf32, #tpu.memory_space<vmem_shared>>
        tpu.wait_dma2 semaphore(%run_scoped3A : memref<!tpu.dma_semaphore, #tpu.memory_space<semaphore_mem>>) src(%dma_wait3A_65 : memref<640x128xf32, #tpu.memory_space<vmem_shared>>) dst(%dma_wait3A_63 : memref<640x128xf32, #tpu.memory_space<hbm>>)
        tpu.yield
      }) : () -> ()
    } else {
    }
    %eq3A_53 = arith.constant 1 : i32
    %eq3A_54 = arith.cmpi eq, %arg0, %eq3A_53 : i32
    %convert_element_type3A_55 = arith.extui %eq3A_54 : i1 to i32
    %cond3A_56 = arith.constant 0 : i32
    %cond3A_57 = arith.cmpi ne, %convert_element_type3A_55, %cond3A_56 : i32
    scf.if %cond3A_57 {
      "tpu.region"() ({
        %run_scoped3A = tpu.sem_alloc : memref<!tpu.dma_semaphore, #tpu.memory_space<semaphore_mem>>
        %dma_start3A_58 = arith.constant 0 : i32
        %dma_start3A_59 = tpu.memref_slice %arg6[%mul3A_0, %dma_start3A_58] : memref<10240x128xf32, #tpu.memory_space<hbm>> -> memref<640x128xf32, #tpu.memory_space<hbm>>
        %dma_start3A_60 = arith.constant 0 : i32
        %dma_start3A_61 = tpu.memref_slice %arg7[%mul3A_0, %dma_start3A_60] : memref<10240x128xf32, #tpu.memory_space<vmem_shared>> -> memref<640x128xf32, #tpu.memory_space<vmem_shared>>
        tpu.enqueue_dma source(%dma_start3A_61 : memref<640x128xf32, #tpu.memory_space<vmem_shared>>) target(%dma_start3A_59 : memref<640x128xf32, #tpu.memory_space<hbm>>) target_semaphore(%run_scoped3A : memref<!tpu.dma_semaphore, #tpu.memory_space<semaphore_mem>>)
        %dma_wait3A_62 = arith.constant 0 : i32
        %dma_wait3A_63 = tpu.memref_slice %arg6[%mul3A_0, %dma_wait3A_62] : memref<10240x128xf32, #tpu.memory_space<hbm>> -> memref<640x128xf32, #tpu.memory_space<hbm>>
        %dma_wait3A_64 = arith.constant 0 : i32
        %dma_wait3A_65 = tpu.memref_slice %arg7[%mul3A_0, %dma_wait3A_64] : memref<10240x128xf32, #tpu.memory_space<vmem_shared>> -> memref<640x128xf32, #tpu.memory_space<vmem_shared>>
        tpu.wait_dma2 semaphore(%run_scoped3A : memref<!tpu.dma_semaphore, #tpu.memory_space<semaphore_mem>>) src(%dma_wait3A_65 : memref<640x128xf32, #tpu.memory_space<vmem_shared>>) dst(%dma_wait3A_63 : memref<640x128xf32, #tpu.memory_space<hbm>>)
        tpu.yield
      }) : () -> ()
    } else {
    }
    return
  }
}

module attributes {stable_mosaic.version = 14 : i64} {
  func.func @_ka_body(%arg0: i32, %arg1: memref<1024xf32, #tpu.memory_space<vmem>>, %arg2: memref<1024xf32, #tpu.memory_space<vmem>>, %arg3: memref<1024x128xf32, #tpu.memory_space<vmem>>, %arg4: memref<128x128xf32, #tpu.memory_space<vmem>>, %arg5: memref<1024x128xf32, #tpu.memory_space<vmem>>) attributes {dimension_semantics = [#tpu.dimension_semantics<arbitrary>], iteration_bounds = array<i64: 10>, scalar_prefetch = 0 : i64, scratch_operands = 0 : i64, tpu.core_type = #tpu.core_type<tc>, window_params = [{transform_indices = @transform_0, window_bounds = array<i64: 1024>}, {transform_indices = @transform_1, window_bounds = array<i64: 1024>}, {transform_indices = @transform_2, window_bounds = array<i64: 1024, 128>}, {pipeline_mode = #tpu.pipeline_mode<synchronous>, transform_indices = @transform_3, window_bounds = array<i64: 128, 128>}, {transform_indices = @transform_4, window_bounds = array<i64: 1024, 128>}]} {
    %get3A = arith.constant 0 : index
    %get3A_0 = arith.constant 0 : index
    %get3A_1 = vector.load %arg3[%get3A, %get3A_0] : memref<1024x128xf32, #tpu.memory_space<vmem>>, vector<1024x128xf32>
    %get3A_2 = arith.constant 0 : index
    %get3A_3 = arith.constant 0 : index
    %get3A_4 = vector.load %arg4[%get3A_2, %get3A_3] : memref<128x128xf32, #tpu.memory_space<vmem>>, vector<128x128xf32>
    %dot_general3A = arith.constant dense<0.000000e+00> : vector<1024x128xf32>
    %dot_general3A_5 = tpu.matmul %get3A_1, %get3A_4, %dot_general3A {dimension_numbers = #tpu.dot_dimension_numbers<[1], [0], [0], [1], [0, 0, 1, 1], [], []>, transpose_lhs_hint = false} : vector<1024x128xf32>, vector<128x128xf32>, vector<1024x128xf32> -> vector<1024x128xf32>
    %get3A_6 = arith.constant 0 : index
    %get3A_7 = vector.load %arg1[%get3A_6] : memref<1024xf32, #tpu.memory_space<vmem>>, vector<1024xf32>
    %get3A_8 = arith.constant 0 : index
    %get3A_9 = vector.load %arg2[%get3A_8] : memref<1024xf32, #tpu.memory_space<vmem>>, vector<1024xf32>
    %add3A = arith.addf %get3A_7, %get3A_9 : vector<1024xf32>
    %add3A_10 = arith.constant 1.000000e+00 : f32
    %add3A_11 = vector.broadcast %add3A_10 : f32 to vector<1024xf32>
    %add3A_12 = arith.addf %add3A, %add3A_11 : vector<1024xf32>
    %rsqrt3A = math.rsqrt %add3A_12 : vector<1024xf32>
    %broadcast_in_dim3A = vector.shape_cast %rsqrt3A : vector<1024xf32> to vector<1024x1xf32>
    %mul3A = vector.broadcast %broadcast_in_dim3A : vector<1024x1xf32> to vector<1024x128xf32>
    %mul3A_13 = arith.mulf %dot_general3A_5, %mul3A : vector<1024x128xf32>
    %swap3A = arith.constant 0 : index
    %swap3A_14 = arith.constant 0 : index
    %swap3A_15 = vector.load %arg5[%swap3A, %swap3A_14] : memref<1024x128xf32, #tpu.memory_space<vmem>>, vector<1024x128xf32>
    tpu.vector_store %arg5[%swap3A, %swap3A_14], %mul3A_13 {strides = array<i32>} : memref<1024x128xf32, #tpu.memory_space<vmem>>, vector<1024x128xf32>,
    return
  }
  func.func @transform_0(%arg0: i32) -> i32 {
    %c0_i32 = arith.constant 0 : i32
    return %arg0 : i32
  }
  func.func @transform_1(%arg0: i32) -> i32 {
    %c0_i32 = arith.constant 0 : i32
    return %arg0 : i32
  }
  func.func @transform_2(%arg0: i32) -> (i32, i32) {
    %c0_i32 = arith.constant 0 : i32
    %c0_i32_0 = arith.constant 0 : i32
    return %arg0, %c0_i32 : i32, i32
  }
  func.func @transform_3(%arg0: i32) -> (i32, i32) {
    %c0_i32 = arith.constant 0 : i32
    %c0_i32_0 = arith.constant 0 : i32
    %c0_i32_1 = arith.constant 0 : i32
    return %c0_i32, %c0_i32_0 : i32, i32
  }
  func.func @transform_4(%arg0: i32) -> (i32, i32) {
    %c0_i32 = arith.constant 0 : i32
    %c0_i32_0 = arith.constant 0 : i32
    return %arg0, %c0_i32 : i32, i32
  }
}

module attributes {stable_mosaic.version = 14 : i64} {
  func.func @_kb_body(%arg0: i32, %arg1: memref<1024x128xf32, #tpu.memory_space<vmem>>, %arg2: memref<1024x128xf32, #tpu.memory_space<vmem>>, %arg3: memref<1024x128xf32, #tpu.memory_space<vmem>>, %arg4: memref<1024xf32, #tpu.memory_space<vmem>>, %arg5: memref<1024xf32, #tpu.memory_space<vmem>>, %arg6: memref<1x128xf32, #tpu.memory_space<vmem>>, %arg7: memref<1024x128xf32, #tpu.memory_space<vmem>>) attributes {dimension_semantics = [#tpu.dimension_semantics<arbitrary>], iteration_bounds = array<i64: 10>, scalar_prefetch = 0 : i64, scratch_operands = 0 : i64, tpu.core_type = #tpu.core_type<tc>, window_params = [{transform_indices = @transform_0, window_bounds = array<i64: 1024, 128>}, {transform_indices = @transform_1, window_bounds = array<i64: 1024, 128>}, {transform_indices = @transform_2, window_bounds = array<i64: 1024, 128>}, {transform_indices = @transform_3, window_bounds = array<i64: 1024>}, {transform_indices = @transform_4, window_bounds = array<i64: 1024>}, {pipeline_mode = #tpu.pipeline_mode<synchronous>, transform_indices = @transform_5, window_bounds = array<i64: 1, 128>}, {transform_indices = @transform_6, window_bounds = array<i64: 1024, 128>}]} {
    %get3A = arith.constant 0 : index
    %get3A_0 = vector.load %arg4[%get3A] : memref<1024xf32, #tpu.memory_space<vmem>>, vector<1024xf32>
    %get3A_1 = arith.constant 0 : index
    %get3A_2 = vector.load %arg5[%get3A_1] : memref<1024xf32, #tpu.memory_space<vmem>>, vector<1024xf32>
    %add3A = arith.addf %get3A_0, %get3A_2 : vector<1024xf32>
    %add3A_3 = arith.constant 1.000000e+00 : f32
    %add3A_4 = vector.broadcast %add3A_3 : f32 to vector<1024xf32>
    %add3A_5 = arith.addf %add3A, %add3A_4 : vector<1024xf32>
    %rsqrt3A = math.rsqrt %add3A_5 : vector<1024xf32>
    %broadcast_in_dim3A = vector.shape_cast %rsqrt3A : vector<1024xf32> to vector<1024x1xf32>
    %get3A_6 = arith.constant 0 : index
    %get3A_7 = arith.constant 0 : index
    %get3A_8 = vector.load %arg1[%get3A_6, %get3A_7] : memref<1024x128xf32, #tpu.memory_space<vmem>>, vector<1024x128xf32>
    %get3A_9 = arith.constant 0 : index
    %get3A_10 = arith.constant 0 : index
    %get3A_11 = vector.load %arg2[%get3A_9, %get3A_10] : memref<1024x128xf32, #tpu.memory_space<vmem>>, vector<1024x128xf32>
    %add3A_12 = arith.addf %get3A_8, %get3A_11 : vector<1024x128xf32>
    %get3A_13 = arith.constant 0 : index
    %get3A_14 = arith.constant 0 : index
    %get3A_15 = vector.load %arg3[%get3A_13, %get3A_14] : memref<1024x128xf32, #tpu.memory_space<vmem>>, vector<1024x128xf32>
    %sub3A = arith.subf %add3A_12, %get3A_15 : vector<1024x128xf32>
    %mul3A = vector.broadcast %broadcast_in_dim3A : vector<1024x1xf32> to vector<1024x128xf32>
    %mul3A_16 = arith.mulf %sub3A, %mul3A : vector<1024x128xf32>
    %get3A_17 = arith.constant 0 : index
    %get3A_18 = arith.constant 0 : index
    %get3A_19 = vector.load %arg6[%get3A_17, %get3A_18] : memref<1x128xf32, #tpu.memory_space<vmem>>, vector<1x128xf32>
    %add3A_20 = vector.broadcast %get3A_19 : vector<1x128xf32> to vector<1024x128xf32>
    %add3A_21 = arith.addf %mul3A_16, %add3A_20 : vector<1024x128xf32>
    %max3A = arith.constant 0.000000e+00 : f32
    %max3A_22 = vector.broadcast %max3A : f32 to vector<1024x128xf32>
    %max3A_23 = arith.maximumf %add3A_21, %max3A_22 : vector<1024x128xf32>
    %mul3A_24 = vector.broadcast %broadcast_in_dim3A : vector<1024x1xf32> to vector<1024x128xf32>
    %mul3A_25 = arith.mulf %max3A_23, %mul3A_24 : vector<1024x128xf32>
    %swap3A = arith.constant 0 : index
    %swap3A_26 = arith.constant 0 : index
    %swap3A_27 = vector.load %arg7[%swap3A, %swap3A_26] : memref<1024x128xf32, #tpu.memory_space<vmem>>, vector<1024x128xf32>
    tpu.vector_store %arg7[%swap3A, %swap3A_26], %mul3A_25 {strides = array<i32>} : memref<1024x128xf32, #tpu.memory_space<vmem>>, vector<1024x128xf32>,
    return
  }
  func.func @transform_0(%arg0: i32) -> (i32, i32) {
    %c0_i32 = arith.constant 0 : i32
    %c0_i32_0 = arith.constant 0 : i32
    return %arg0, %c0_i32 : i32, i32
  }
  func.func @transform_1(%arg0: i32) -> (i32, i32) {
    %c0_i32 = arith.constant 0 : i32
    %c0_i32_0 = arith.constant 0 : i32
    return %arg0, %c0_i32 : i32, i32
  }
  func.func @transform_2(%arg0: i32) -> (i32, i32) {
    %c0_i32 = arith.constant 0 : i32
    %c0_i32_0 = arith.constant 0 : i32
    return %arg0, %c0_i32 : i32, i32
  }
  func.func @transform_3(%arg0: i32) -> i32 {
    %c0_i32 = arith.constant 0 : i32
    return %arg0 : i32
  }
  func.func @transform_4(%arg0: i32) -> i32 {
    %c0_i32 = arith.constant 0 : i32
    return %arg0 : i32
  }
  func.func @transform_5(%arg0: i32) -> (i32, i32) {
    %c0_i32 = arith.constant 0 : i32
    %c0_i32_0 = arith.constant 0 : i32
    %c0_i32_1 = arith.constant 0 : i32
    return %c0_i32, %c0_i32_0 : i32, i32
  }
  func.func @transform_6(%arg0: i32) -> (i32, i32) {
    %c0_i32 = arith.constant 0 : i32
    %c0_i32_0 = arith.constant 0 : i32
    return %arg0, %c0_i32 : i32, i32
  }
}

module attributes {stable_mosaic.version = 14 : i64} {
  func.func @_kc_body(%arg0: i32, %arg1: memref<1024x128xf32, #tpu.memory_space<vmem>>, %arg2: memref<1024x128xf32, #tpu.memory_space<vmem>>, %arg3: memref<1024x128xf32, #tpu.memory_space<vmem>>, %arg4: memref<1024xf32, #tpu.memory_space<vmem>>, %arg5: memref<1024xf32, #tpu.memory_space<vmem>>, %arg6: memref<128x64xf32, #tpu.memory_space<vmem>>, %arg7: memref<1x64xf32, #tpu.memory_space<vmem>>, %arg8: memref<128x64xf32, #tpu.memory_space<vmem>>, %arg9: memref<1x64xf32, #tpu.memory_space<vmem>>, %arg10: memref<1024x64xf32, #tpu.memory_space<vmem>>, %arg11: memref<1024x64xf32, #tpu.memory_space<vmem>>) attributes {dimension_semantics = [#tpu.dimension_semantics<arbitrary>], iteration_bounds = array<i64: 10>, scalar_prefetch = 0 : i64, scratch_operands = 0 : i64, tpu.core_type = #tpu.core_type<tc>, window_params = [{transform_indices = @transform_0, window_bounds = array<i64: 1024, 128>}, {transform_indices = @transform_1, window_bounds = array<i64: 1024, 128>}, {transform_indices = @transform_2, window_bounds = array<i64: 1024, 128>}, {transform_indices = @transform_3, window_bounds = array<i64: 1024>}, {transform_indices = @transform_4, window_bounds = array<i64: 1024>}, {pipeline_mode = #tpu.pipeline_mode<synchronous>, transform_indices = @transform_5, window_bounds = array<i64: 128, 64>}, {pipeline_mode = #tpu.pipeline_mode<synchronous>, transform_indices = @transform_6, window_bounds = array<i64: 1, 64>}, {pipeline_mode = #tpu.pipeline_mode<synchronous>, transform_indices = @transform_7, window_bounds = array<i64: 128, 64>}, {pipeline_mode = #tpu.pipeline_mode<synchronous>, transform_indices = @transform_8, window_bounds = array<i64: 1, 64>}, {transform_indices = @transform_9, window_bounds = array<i64: 1024, 64>}, {transform_indices = @transform_10, window_bounds = array<i64: 1024, 64>}]} {
    %get3A = arith.constant 0 : index
    %get3A_0 = arith.constant 0 : index
    %get3A_1 = vector.load %arg1[%get3A, %get3A_0] : memref<1024x128xf32, #tpu.memory_space<vmem>>, vector<1024x128xf32>
    %get3A_2 = arith.constant 0 : index
    %get3A_3 = arith.constant 0 : index
    %get3A_4 = vector.load %arg2[%get3A_2, %get3A_3] : memref<1024x128xf32, #tpu.memory_space<vmem>>, vector<1024x128xf32>
    %add3A = arith.addf %get3A_1, %get3A_4 : vector<1024x128xf32>
    %get3A_5 = arith.constant 0 : index
    %get3A_6 = arith.constant 0 : index
    %get3A_7 = vector.load %arg3[%get3A_5, %get3A_6] : memref<1024x128xf32, #tpu.memory_space<vmem>>, vector<1024x128xf32>
    %sub3A = arith.subf %add3A, %get3A_7 : vector<1024x128xf32>
    %get3A_8 = arith.constant 0 : index
    %get3A_9 = vector.load %arg4[%get3A_8] : memref<1024xf32, #tpu.memory_space<vmem>>, vector<1024xf32>
    %get3A_10 = arith.constant 0 : index
    %get3A_11 = vector.load %arg5[%get3A_10] : memref<1024xf32, #tpu.memory_space<vmem>>, vector<1024xf32>
    %add3A_12 = arith.addf %get3A_9, %get3A_11 : vector<1024xf32>
    %add3A_13 = arith.constant 1.000000e+00 : f32
    %add3A_14 = vector.broadcast %add3A_13 : f32 to vector<1024xf32>
    %add3A_15 = arith.addf %add3A_12, %add3A_14 : vector<1024xf32>
    %rsqrt3A = math.rsqrt %add3A_15 : vector<1024xf32>
    %broadcast_in_dim3A = vector.shape_cast %rsqrt3A : vector<1024xf32> to vector<1024x1xf32>
    %mul3A = vector.broadcast %broadcast_in_dim3A : vector<1024x1xf32> to vector<1024x128xf32>
    %mul3A_16 = arith.mulf %sub3A, %mul3A : vector<1024x128xf32>
    %get3A_17 = arith.constant 0 : index
    %get3A_18 = arith.constant 0 : index
    %get3A_19 = vector.load %arg6[%get3A_17, %get3A_18] : memref<128x64xf32, #tpu.memory_space<vmem>>, vector<128x64xf32>
    %dot_general3A = arith.constant dense<0.000000e+00> : vector<1024x64xf32>
    %dot_general3A_20 = tpu.matmul %mul3A_16, %get3A_19, %dot_general3A {dimension_numbers = #tpu.dot_dimension_numbers<[1], [0], [0], [1], [0, 0, 1, 1], [], []>, transpose_lhs_hint = false} : vector<1024x128xf32>, vector<128x64xf32>, vector<1024x64xf32> -> vector<1024x64xf32>
    %get3A_21 = arith.constant 0 : index
    %get3A_22 = arith.constant 0 : index
    %get3A_23 = vector.load %arg7[%get3A_21, %get3A_22] : memref<1x64xf32, #tpu.memory_space<vmem>>, vector<1x64xf32>
    %add3A_24 = vector.broadcast %get3A_23 : vector<1x64xf32> to vector<1024x64xf32>
    %add3A_25 = arith.addf %dot_general3A_20, %add3A_24 : vector<1024x64xf32>
    %swap3A = arith.constant 0 : index
    %swap3A_26 = arith.constant 0 : index
    %swap3A_27 = vector.load %arg10[%swap3A, %swap3A_26] : memref<1024x64xf32, #tpu.memory_space<vmem>>, vector<1024x64xf32>
    tpu.vector_store %arg10[%swap3A, %swap3A_26], %add3A_25 {strides = array<i32>} : memref<1024x64xf32, #tpu.memory_space<vmem>>, vector<1024x64xf32>,
    %get3A_28 = arith.constant 0 : index
    %get3A_29 = arith.constant 0 : index
    %get3A_30 = vector.load %arg8[%get3A_28, %get3A_29] : memref<128x64xf32, #tpu.memory_space<vmem>>, vector<128x64xf32>
    %dot_general3A_31 = arith.constant dense<0.000000e+00> : vector<1024x64xf32>
    %dot_general3A_32 = tpu.matmul %mul3A_16, %get3A_30, %dot_general3A_31 {dimension_numbers = #tpu.dot_dimension_numbers<[1], [0], [0], [1], [0, 0, 1, 1], [], []>, transpose_lhs_hint = false} : vector<1024x128xf32>, vector<128x64xf32>, vector<1024x64xf32> -> vector<1024x64xf32>
    %get3A_33 = arith.constant 0 : index
    %get3A_34 = arith.constant 0 : index
    %get3A_35 = vector.load %arg9[%get3A_33, %get3A_34] : memref<1x64xf32, #tpu.memory_space<vmem>>, vector<1x64xf32>
    %add3A_36 = vector.broadcast %get3A_35 : vector<1x64xf32> to vector<1024x64xf32>
    %add3A_37 = arith.addf %dot_general3A_32, %add3A_36 : vector<1024x64xf32>
    %swap3A_38 = arith.constant 0 : index
    %swap3A_39 = arith.constant 0 : index
    %swap3A_40 = vector.load %arg11[%swap3A_38, %swap3A_39] : memref<1024x64xf32, #tpu.memory_space<vmem>>, vector<1024x64xf32>
    tpu.vector_store %arg11[%swap3A_38, %swap3A_39], %add3A_37 {strides = array<i32>} : memref<1024x64xf32, #tpu.memory_space<vmem>>, vector<1024x64xf32>,
    return
  }
  func.func @transform_0(%arg0: i32) -> (i32, i32) {
    %c0_i32 = arith.constant 0 : i32
    %c0_i32_0 = arith.constant 0 : i32
    return %arg0, %c0_i32 : i32, i32
  }
  func.func @transform_1(%arg0: i32) -> (i32, i32) {
    %c0_i32 = arith.constant 0 : i32
    %c0_i32_0 = arith.constant 0 : i32
    return %arg0, %c0_i32 : i32, i32
  }
  func.func @transform_2(%arg0: i32) -> (i32, i32) {
    %c0_i32 = arith.constant 0 : i32
    %c0_i32_0 = arith.constant 0 : i32
    return %arg0, %c0_i32 : i32, i32
  }
  func.func @transform_3(%arg0: i32) -> i32 {
    %c0_i32 = arith.constant 0 : i32
    return %arg0 : i32
  }
  func.func @transform_4(%arg0: i32) -> i32 {
    %c0_i32 = arith.constant 0 : i32
    return %arg0 : i32
  }
  func.func @transform_5(%arg0: i32) -> (i32, i32) {
    %c0_i32 = arith.constant 0 : i32
    %c0_i32_0 = arith.constant 0 : i32
    %c0_i32_1 = arith.constant 0 : i32
    return %c0_i32, %c0_i32_0 : i32, i32
  }
  func.func @transform_6(%arg0: i32) -> (i32, i32) {
    %c0_i32 = arith.constant 0 : i32
    %c0_i32_0 = arith.constant 0 : i32
    %c0_i32_1 = arith.constant 0 : i32
    return %c0_i32, %c0_i32_0 : i32, i32
  }
  func.func @transform_7(%arg0: i32) -> (i32, i32) {
    %c0_i32 = arith.constant 0 : i32
    %c0_i32_0 = arith.constant 0 : i32
    %c0_i32_1 = arith.constant 0 : i32
    return %c0_i32, %c0_i32_0 : i32, i32
  }
  func.func @transform_8(%arg0: i32) -> (i32, i32) {
    %c0_i32 = arith.constant 0 : i32
    %c0_i32_0 = arith.constant 0 : i32
    %c0_i32_1 = arith.constant 0 : i32
    return %c0_i32, %c0_i32_0 : i32, i32
  }
  func.func @transform_9(%arg0: i32) -> (i32, i32) {
    %c0_i32 = arith.constant 0 : i32
    %c0_i32_0 = arith.constant 0 : i32
    return %arg0, %c0_i32 : i32, i32
  }
  func.func @transform_10(%arg0: i32) -> (i32, i32) {
    %c0_i32 = arith.constant 0 : i32
    %c0_i32_0 = arith.constant 0 : i32
    return %arg0, %c0_i32 : i32, i32
  }
}

</mosaic_0001>

<sc_bundles>
// kernel: kernel.11.cloned.1.call-start
scs
__scs_entry_jumppad:
0x0: {  	(pc) =	sbr.rel $0x88, $3  }
0x1: {  	(tag) =	ssettag $0x0;
	lr =	simm.s32 $0x1  }
0x2: {  	[smem:$0x3F99] =	sst lr;
	_ =	strace $0xD0000000  }
0x3: {  	_ = 	snop  }
0x4: {  	_ = 	snop  }
0x5: {  	_ = 	snop  }
0x6: {  	_ = 	snop  }
0x7: {  	_ = 	snop  }
__scs_overlays_trampoline_lowered:
0x8: {  	[smem:$0x3FA8] =	sst s0  }
0x9: {  	[smem:$0x3FA9] =	sst s1  }
0xa: {  	[smem:$0x3FAA] =	sst s2  }
0xb: {  	[smem:$0x3FAB] =	sst s3  }
0xc: {  	[smem:$0x3FAC] =	sst s4  }
0xd: {  	[smem:$0x3FAD] =	sst s5  }
0xe: {  	[smem:$0x3FAE] =	sst s6  }
0xf: {  	[smem:$0x3FAF] =	sst s7  }
0x10: {  	[smem:$0x3FB0] =	sst s8  }
0x11: {  	[smem:$0x3FB1] =	sst s9;
	s0 =	simm.s32 @!p0 $0x0  }
0x12: {  	s1 =	sld [smem:$0x3F97];
	s0 =	simm.s32 @p0 $0x1  }
0x13: {  	[smem:$0x3FB2] =	sst s0;
	s0 =	simm.s32 @!p1 $0x0  }
0x14: {  	s2 =	sld [smem:$0x3F96];
	s0 =	simm.s32 @p1 $0x1  }
0x15: {  	[smem:$0x3FB3] =	sst s0;
	s0 =	simm.s32 @!p2 $0x0  }
0x16: {  	s3 =	sld [smem:$0x3FDB];
	s0 =	simm.s32 @p2 $0x1  }
0x17: {  	s4 =	simm.s32 $0x1BF5;
	[smem:$0x3FB5] =	sst s0  }
0x18: {  	s0 =	sld [smem:$0x3F98];
	_ =	swait.ge [sflag:s4], $0x0  }
0x19: {  	s7 =	sld [smem:$0x3F99]  }
0x1a: {  	s8 =	sadd.s32 $0xFFFFE003, lr  }
0x1b: {  	s9 =	sadd.s32 $0xFFFFFEF7, lr;
	s5 =	simm.s32 $0xFFFFFFFF;
	p2 =	slt.u32 s8, $0xFFFFF086  }
0x1c: {  	p1 =	slt.u32 s9, $0xF7A;
	s5 =	simm.s32 @!p2 $0x0  }
0x1d: {  	s5 =	simm.s32 @p1 $0x1;
	p0 =	seq.s32 s7, s2  }
0x1e: {  	s7 =	smul.u32 @!p0 $0xF7A, s2;
	p2 =	seq.s32 @!p0 s5, $0x0  }
0x1f: {  	s9 =	smul.u32 $0xF7A, s1;
	s8 =	simm.s32 @!p0 $0x1BF5;
	p2 =	por !p2, p0  }
0x20: {  	[sflag:s8] =	ssyncset.s32 @!p0 $0xFFFFF086;
	s6 =	sadd.s32 @!p0 s3, s7;
	s7 =	simm.s32 @!p0 $0x108  }
0x21: {  	s3 =	sadd.s32 s3, s9;
	s6 =	sadd.s32 @!p0 $0x88, s6;
	s7 =	simm.s32 @p2 $0x1082  }
0x22: {  	[simem:s7], [sflag:s8] =	dma.local @!p0 [hbm:s6], $0xF7A  }
0x23: {  	s9 =	sor.u32 $0xD0000000, s2;
	s6 =	simm.s32 $0x108;
	_ =	swait.ge @!p0 [sflag:s8], $0x0  }
0x24: {  	s3 =	sadd.s32 $0x88, s3;
	s6 =	simm.s32 @!p1 $0x1082;
	[sflag:s4] =	ssyncset.s32 $0xFFFFF086  }
0x25: {  	[simem:s6], [sflag:s4] =	dma.local [hbm:s3], $0xF7A  }
0x26: {  	[smem:$0x3F99] =	sst s1;
	(tag) =	ssettag s2;
	_ =	strace s9  }
0x27: {  	s1 =	sld [smem:$0x3FA9]  }
0x28: {  	s2 =	sld [smem:$0x3FAA]  }
0x29: {  	s4 =	sld [smem:$0x3FAC]  }
0x2a: {  	p0 =	seq.s32 s5, $0x0;
	s5 =	sld [smem:$0x3FAD]  }
0x2b: {  	s6 =	sld [smem:$0x3FAE]  }
0x2c: {  	s7 =	sld [smem:$0x3FAF]  }
0x2d: {  	s3 =	simm.s32 $0x108;
	s8 =	sld [smem:$0x3FB0]  }
0x2e: {  	s3 =	simm.s32 @!p0 $0x1082;
	s9 =	sld [smem:$0x3FB1]  }
0x2f: {  	lr =	sadd.s32 s0, s3;
	s0 =	sld [smem:$0x3FA8]  }
0x30: {  	s3 =	sld [smem:$0x3FAB]  }
0x31: {  	[smem:$0x3FB4] =	sst s10  }
0x32: {  	s10 =	sld [smem:$0x3FB2];
	_ =	sdelay $0x3  }
0x33: {  	p0 =	seq.s32 s10, $0x1;
	s10 =	sld [smem:$0x3FB4];
	_ =	sdelay $0x3  }
0x34: {  	[smem:$0x3FB4] =	sst s10  }
0x35: {  	s10 =	sld [smem:$0x3FB3];
	_ =	sdelay $0x3  }
0x36: {  	p1 =	seq.s32 s10, $0x1;
	s10 =	sld [smem:$0x3FB4];
	_ =	sdelay $0x3  }
0x37: {  	[smem:$0x3FB4] =	sst s10  }
0x38: {  	s10 =	sld [smem:$0x3FB5]  }
0x39: {  	_ = 	snop;
	(pc) =	sbr.ind lr, $3  }
0x3a: {  	_ = 	snop  }
0x3b: {  	_ = 	snop  }
0x3c: {  	p2 =	seq.s32 s10, $0x1;
	s10 =	sld [smem:$0x3FB4]  }
0x3d: {  	_ =	shalt  }
0x3e: {  	_ =	shalt  }
0x3f: {  	_ =	shalt  }
0x40: {  	_ =	shalt  }
0x41: {  	_ =	shalt  }
0x42: {  	_ =	shalt  }
0x43: {  	_ =	shalt  }
0x44: {  	_ =	shalt  }
0x45: {  	_ =	shalt  }
0x46: {  	_ =	shalt  }
0x47: {  	_ =	shalt  }
0x48: {  	_ =	shalt  }
0x49: {  	_ =	shalt  }
0x4a: {  	_ =	shalt  }
0x4b: {  	_ =	shalt  }
0x4c: {  	_ =	shalt  }
0x4d: {  	_ =	shalt  }
0x4e: {  	_ =	shalt  }
0x4f: {  	_ =	shalt  }
0x50: {  	_ =	shalt  }
0x51: {  	_ =	shalt  }
0x52: {  	_ =	shalt  }
0x53: {  	_ =	shalt  }
0x54: {  	_ =	shalt  }
0x55: {  	_ =	shalt  }
0x56: {  	_ =	shalt  }
0x57: {  	_ =	shalt  }
0x58: {  	_ =	shalt  }
0x59: {  	_ =	shalt  }
0x5a: {  	_ =	shalt  }
0x5b: {  	_ =	shalt  }
0x5c: {  	_ =	shalt  }
0x5d: {  	_ =	shalt  }
0x5e: {  	_ =	shalt  }
0x5f: {  	_ =	shalt  }
0x60: {  	_ =	shalt  }
0x61: {  	_ =	shalt  }
0x62: {  	_ =	shalt  }
0x63: {  	_ =	shalt  }
0x64: {  	_ =	shalt  }
0x65: {  	_ =	shalt  }
0x66: {  	_ =	shalt  }
0x67: {  	_ =	shalt  }
0x68: {  	_ =	shalt  }
0x69: {  	_ =	shalt  }
0x6a: {  	_ =	shalt  }
0x6b: {  	_ =	shalt  }
0x6c: {  	_ =	shalt  }
0x6d: {  	_ =	shalt  }
0x6e: {  	_ =	shalt  }
0x6f: {  	_ =	shalt  }
0x70: {  	_ =	shalt  }
0x71: {  	_ =	shalt  }
0x72: {  	_ =	shalt  }
0x73: {  	_ =	shalt  }
0x74: {  	_ =	shalt  }
0x75: {  	_ =	shalt  }
0x76: {  	_ =	shalt  }
0x77: {  	_ =	shalt  }
0x78: {  	_ =	shalt  }
0x79: {  	_ =	shalt  }
0x7a: {  	_ =	shalt  }
0x7b: {  	_ =	shalt  }
0x7c: {  	_ =	shalt  }
0x7d: {  	_ =	shalt  }
0x7e: {  	_ =	shalt  }
0x7f: {  	_ =	shalt  }
0x80: {  	_ =	shalt  }
0x81: {  	_ =	shalt  }
0x82: {  	_ =	shalt  }
0x83: {  	_ =	shalt  }
0x84: {  	_ =	shalt  }
0x85: {  	_ =	shalt  }
0x86: {  	_ =	shalt  }
0x87: {  	_ =	shalt  }
.Lfunc_end0:
.L_simem_size_0:
called_computation.1_lowered:
.L_overlay_start_0:
0x88: {  	s2 =	sld [smem:$0x3FD9]  }
0x89: {  	s3 =	sld [smem:$0x3FFE];
	_ =	sdelay $0x1  }
0x8a: {  	s1 =	srdreg.scid  }
0x8b: {  	s0 =	sand.u32 $0x1, s1  }
0x8c: {  	s14 =	sshll.u32 s0, $0xA;
	s2 =	sadd.s32 s3, s2  }
0x8d: {  	s2 =	sadd.s32 s2, s14  }
0x8e: {  	[smem:$0x3FC0] =	sst s2  }
0x8f: {  	_ = 	snop  }
0x90: {  	s2 =	sld [smem:$0x3FD0];
	_ =	sdelay $0x2  }
0x91: {  	s15 =	simm.s32 $0xA;
	s4 =	simm.s32 $0x10  }
0x92: {  	[smem:s4], [sflag:s15] =	dma.local [hbm:s2], $0x1  }
0x93: {  	_ =	swait.eq [sflag:s15], $0x1  }
0x94: {  	[sflag:s15] =	ssyncset.done $0x0  }
0x95: {  	s16 =	sld [smem:$0x10];
	[sflag:s15] =	ssyncadd.s32 $0xFFFFFFFF  }
0x96: {  	s17 =	sld [smem:$0x11];
	(tm) =	ssettm $0x1  }
0x97: {  	s18 =	sld [smem:$0x3FFB];
	_ =	sdelay $0x3  }
0x98: {  	_ =	strace s18  }
0x99: {  	s4 =	sld [smem:$0x3FFC];
	_ =	sdelay $0x3  }
0x9a: {  	_ =	strace s4  }
0x9b: {  	s4 =	sld [smem:$0x3FFD];
	_ =	sdelay $0x3  }
0x9c: {  	_ =	strace s4  }
0x9d: {  	_ =	strace $0x8FFFFFFF  }
0x9e: {  	s19 =	sld [smem:$0x3FDB];
	_ =	sdelay $0x1  }
0x9f: {  	s5 =	simm.s32 $_scs_section_size  }
0xa0: {  	s6 =	simm.s32 $_size__tile_overlayer_lowered;
	s7 =	simm.s32 $_tile_overlayer_lowered  }
0xa1: {  	s22 =	simm.s32 $0x1BFF;
	s21 =	sshll.u32 s7, $0x1;
	s4 =	sadd.s32 s5, s19  }
0xa2: {  	s8 =	simm.s32 $0x0;
	s20 =	sshll.u32 s6, $0x1;
	s6 =	sadd.s32 s21, s4  }
0xa3: {  	[timem:s8], [sflag:s22] =	dma.local [hbm:s6], s20  }
0xa4: {  	_ =	swait.ge [sflag:s22], s20  }
0xa5: {  	s5 =	ssub.s32 $0x0, s20;
	[sflag:s22] =	ssyncset.done $0x0  }
0xa6: {  	[sflag:s22] =	ssyncadd.s32 s5;
	_ =	sdelay $0x1  }
0xa7: {  	s23 =	simm.s32 $0x1B8B  }
0xa8: {  	_ =	swait.ge [sflag:s23], $0x1  }
0xa9: {  	[sflag:s23] =	ssyncset.done $0x0  }
0xaa: {  	s25 =	simm.s32 $0x1B8E;
	s24 =	sld [smem:$0x3FFE];
	[sflag:s23] =	ssyncadd.s32 $0xFFFFFFFF  }
0xab: {  	s26 =	simm.s32 $execute0_lowered;
	[smem:$0x3FD2] =	sst s25  }
0xac: {  	s6 =	sshll.u32 s26, $0x1;
	_ =	strace $0x80000049;
	[dreg:$0x1] =	wrdreg $0xFFFFFFFF  }
0xad: {  	s28 =	simm.s32 $_size_execute0_lowered;
	s4 =	sadd.s32 s4, s6;
	[dreg:$0x0] =	wrdreg $0x0  }
0xae: {  	s6 =	sshll.u32 s28, $0x1;
	[dreg:$0x2] =	wrdreg s4  }
0xaf: {  	[dreg:$0x3] =	wrdreg s6  }
0xb0: {  	[dreg:$0x4] =	wrdreg $0xC0  }
0xb1: {  	_ =	task [dreg:s8], $0x5FFFF  }
0xb2: {  	[dreg:$0x1] =	wrdreg $0xFFFFFFFF  }
0xb3: {  	[dreg:$0x0] =	wrdreg $0x60  }
0xb4: {  	[dreg:$0x2] =	wrdreg s24  }
0xb5: {  	[dreg:$0x3] =	wrdreg s16  }
0xb6: {  	[dreg:$0x4] =	wrdreg s17  }
0xb7: {  	[dreg:$0x5] =	wrdreg $0x0  }
0xb8: {  	[dreg:$0x6] =	wrdreg $0x9  }
0xb9: {  	_ =	task.clear_ibuf [dreg:s8], $0x7FFFF;
	_ =	strace $0x90000049  }
0xba: {  	s29 =	simm.s32 $0x9;
	_ =	strace $0x8000004B  }
0xbb: {  	_ =	swait.ge [sflag:s29], $0x1  }
0xbc: {  	[sflag:s29] =	ssyncadd.s32 $0xFFFFFFFF  }
0xbd: {  	_ =	strace $0x9000004B  }
0xbe: {  	_ =	sfence  }
0xbf: {  	s30 =	sld [smem:$0x0];
	_ =	sdelay $0x2  }
0xc0: {  	s31 =	sshll.u32 s1, $0xD;
	s1 =	sshrl.u32 s1, $0x2  }
0xc1: {  	s3 =	sand.u32 $0x4000, s31;
	s1 =	sadd.s32 s1, s30  }
0xc2: {  	s0 =	sor.u32 s3, s0;
	s1 =	sshll.u32 s1, $0x11  }
0xc3: {  	s0 =	sor.u32 s1, s0  }
0xc4: {  	s0 =	sadd.s32 $0x8F2B, s0  }
0xc5: {  	[sflag:s0] =	ssyncadd.remote.s32 $0x1  }
0xc6: {  	_ =	sfence.sel $0xFFFF  }
0xc7: {  	[dreg:$0x0] =	wrdreg $0xFFFFFFFF;
	(pc) =	sbr.abs _section_cstart, $3  }
0xc8: {  	[dreg:$0x1] =	wrdreg $0xFFFFFFFF  }
0xc9: {  	_ =	task.clear_ibuf [dreg:s8], $0x2FFFF;
	_ =	strace $0x9FFFFFFF  }
0xca: {  	(tm) =	ssettm $0x7FFFFFFF  }
0xcb: {  	_ =	shalt  }
tec
execute0_lowered:
.L_overlay_start_1:
0x0: {  	(tag) =	ssettag $0x1  }
0x1: {  	s0 =	rddreg [dreg:$0x0]  }
0x2: {  	s1 =	rddreg [dreg:$0x1]  }
0x3: {  	s3 =	rddreg [dreg:$0x2]  }
0x4: {  	s2 =	rddreg [dreg:$0x3];
	s4 =	simm.s32 $0x0;
	s5 =	srdreg.scid  }
0x5: {  	s14 =	stileid.u32;
	s18 =	simm.s32 $0x7;
	s19 =	simm.s32 $0x14000  }
0x6: {  	s20 =	simm.s32 $0x16800;
	s21 =	simm.s32 $0x16880;
	s28 =	simm.s32 $0x3  }
0x7: {  	s29 =	simm.s32 $0x4;
	s31 =	simm.s32 $0x5;
	s22 =	smul.u32 $0x50000, s14  }
0x8: {  	[smem:$0x7FF] =	sst s4;
	s6 =	sand.u32 $0x1, s5;
	s9 =	smul.u32 $0x2800, s14  }
0x9: {  	s5 =	sadd.s32 $0x4400, s0;
	s24 =	sshll.u32 s14, $0x6;
	s16 =	smul.u32 $0x500, s14  }
0xa: {  	_ =	strace $0x8000004A;
	s7 =	sshll.u32 s6, $0x4;
	s8 =	ssub.s32 $0x2, s6  }
0xb: {  	p0 =	seq.s32 s6, $0x1;
	s6 =	smul.u32 $0x5000, s6;
	s7 =	sor.u32 s14, s7  }
0xc: {  	s10 =	sshrl.u32 s8, $0x1;
	s11 =	sshrl.u32 s22, $0x2;
	s23 =	sadd.s32 s5, s9  }
0xd: {  	s22 =	simm.s32 $0x1;
	s12 =	smul.u32 $0x500, s7;
	s13 =	ssub.s32 s8, s10  }
0xe: {  	s17 =	sadd.s32 s11, s2;
	[dreg:$0x5] =	wrdreg s23;
	s8 =	sor.u32 $0x1C07, s24  }
0xf: {  	s16 =	sadd.s32 s16, s6;
	s23 =	simm.s32 $0x80;
	s10 =	smax.u32 s13, $0x1  }
0x10: {  	s7 =	sadd.s32 s1, s12;
	s3 =	sadd.s32 s3, s12;
	[dreg:$0x8] =	wrdreg s10  }
0x11: {  	s24 =	simm.s32 $0x16900;
	[dreg:$0x6] =	wrdreg s3;
	s25 =	sadd.s32 $0x10, s7  }
0x12: {  	s17 =	sshrl.u32 s17, $0x3;
	s26 =	sadd.s32 $0x20, s7;
	[dreg:$0x7] =	wrdreg s25  }
0x13: {  	s3 =	simm.s32 $0x54400;
	s30 =	sadd.s32 $0x30, s7;
	[dreg:$0x9] =	wrdreg s26  }
0x14: {  	s14 =	sadd.s32 $0x4F0, s7;
	s3 =	simm.s32 @!p0 $0x2C400;
	[dreg:$0xa] =	wrdreg s30  }
0x15: {  	s25 =	simm.s32 $0x2;
	s26 =	simm.s32 $0x1A900;
	s0 =	sadd.s32 s3, s0  }
0x16: {  	s3 =	simm.s32 $0x0;
	s15 =	sadd.s32 s0, s9;
	s0 =	simm.s32 $0x6  }
.LBB2_1:
0x17: {  	s6 =	rddreg [dreg:$0x5]  }
0x18: {  	[spmem:s17], [sflag:s8] =	dma.local [hbm:s6], $0x2800  }
0x19: {  	_ =	swait.ge [sflag:s18], $0x2800  }
0x1a: {  	[sflag:s18] =	ssyncset.done $0x0  }
0x1b: {  	s12 =	rddreg [dreg:$0x6];
	[sflag:s18] =	ssyncadd.s32 $0xFFFFD800  }
0x1c: {  	[tilespmem:s19], [sflag:$0x7] =	stream.linear.gather [hbm4b:s12+s4], $0x2800, $0x38;
	[tilespmem:$0x1E900] =	vst v63  }
0x1d: {  	_ =	swait.ge [sflag:s18], $0x2800  }
0x1e: {  	[sflag:s18] =	ssyncset.done $0x0  }
0x1f: {  	[sflag:s18] =	ssyncadd.s32 $0xFFFFD800  }
0x20: {  	[tilespmem:s20], [sflag:$0x1] =	stream.linear.gather [hbm4b:s7+s4], $0x80, $0x38;
	[tilespmem:$0x1E900] =	vst v63  }
0x21: {  	s13 =	rddreg [dreg:$0x7]  }
0x22: {  	[tilespmem:s21], [sflag:$0x2] =	stream.linear.gather [hbm4b:s13+s4], $0x80, $0x38;
	[tilespmem:$0x1E900] =	vst v63  }
0x23: {  	[bflag:$0x0] =	sbarrier.arrive $0xFFFF  }
0x24: {  	_ =	swait.ge [sflag:s22], $0x80  }
0x25: {  	[sflag:s22] =	ssyncset.done $0x0  }
0x26: {  	[sflag:s22] =	ssyncadd.s32 $0xFFFFFF80  }
0x27: {  	[tilespmem:s24], [sflag:$0x3] =	stream.indirect.gather [hbm4b:s5+s23], $0x80, s20, s23, $0xb8;
	[tilespmem:$0x1E900] =	vst v63  }
0x28: {  	_ =	swait.ge [sflag:s25], $0x80  }
0x29: {  	[sflag:s25] =	ssyncset.done $0x0  }
0x2a: {  	[sflag:s25] =	ssyncadd.s32 $0xFFFFFF80  }
0x2b: {  	[tilespmem:s26], [sflag:$0x4] =	stream.indirect.gather [hbm4b:s5+s23], $0x80, s21, s23, $0xb8;
	[tilespmem:$0x1E900] =	vst v63  }
0x2c: {  	_ =	swait.ge [sflag:s28], $0x4000  }
0x2d: {  	[sflag:s28] =	ssyncset.done $0x0  }
0x2e: {  	s9 =	rddreg [dreg:$0x9];
	[sflag:s28] =	ssyncadd.s32 $0xFFFFC000  }
0x2f: {  	[tilespmem:s20], [sflag:$0x1] =	stream.linear.gather [hbm4b:s9+s4], $0x80, $0x38;
	[tilespmem:$0x1E900] =	vst v63  }
0x30: {  	_ = 	snop  }
0x31: {  	[spmem:s2] =	stream.indirect.scatter.add.f32 [tilespmem:s24], [sflag:$0x5], $0x80, s19, s23, $0xb8;
	[tilespmem:$0x1E900] =	vst v63  }
0x32: {  	_ =	swait.ge [sflag:s29], $0x4000  }
0x33: {  	[sflag:s29] =	ssyncset.done $0x0  }
0x34: {  	s10 =	rddreg [dreg:$0xa];
	[sflag:s29] =	ssyncadd.s32 $0xFFFFC000  }
0x35: {  	[tilespmem:s21], [sflag:$0x2] =	stream.linear.gather [hbm4b:s10+s4], $0x80, $0x38;
	[tilespmem:$0x1E900] =	vst v63  }
0x36: {  	s11 =	simm.s32 $0x14080  }
0x37: {  	[spmem:s2] =	stream.indirect.scatter.add.f32 [tilespmem:s26], [sflag:$0x6], $0x80, s11, s23, $0xb8;
	[tilespmem:$0x1E900] =	vst v63  }
0x38: {  	_ =	swait.ge [sflag:s22], $0x80  }
0x39: {  	[sflag:s22] =	ssyncset.done $0x0  }
0x3a: {  	[sflag:s22] =	ssyncadd.s32 $0xFFFFFF80  }
0x3b: {  	_ =	swait.ge [sflag:s31], $0x4000  }
0x3c: {  	[sflag:s31] =	ssyncset.done $0x0  }
0x3d: {  	[sflag:s31] =	ssyncadd.s32 $0xFFFFC000  }
0x3e: {  	[tilespmem:s24], [sflag:$0x3] =	stream.indirect.gather [hbm4b:s5+s23], $0x80, s20, s23, $0xb8;
	[tilespmem:$0x1E900] =	vst v63  }
0x3f: {  	_ =	swait.ge [sflag:s25], $0x80  }
0x40: {  	[sflag:s25] =	ssyncset.done $0x0  }
0x41: {  	[sflag:s25] =	ssyncadd.s32 $0xFFFFFF80  }
0x42: {  	_ =	swait.ge [sflag:s0], $0x4000  }
0x43: {  	[sflag:s0] =	ssyncset.done $0x0  }
0x44: {  	s12 =	sadd.s32 $0x50, s16;
	s9 =	simm.s32 $0x40;
	[sflag:s0] =	ssyncadd.s32 $0xFFFFC000  }
0x45: {  	[tilespmem:s26], [sflag:$0x4] =	stream.indirect.gather [hbm4b:s5+s23], $0x80, s21, s23, $0xb8;
	[tilespmem:$0x1E900] =	vst v63  }
0x46: {  	s30 =	sadd.s32 $0xFFFFFFF0, s12;
	s9 =	sand.u32 $0x60, s9;
	_ =	swait.ge [sflag:s28], $0x4000  }
0x47: {  	s30 =	sand.u32 $0xFFFFF80, s30;
	s9 =	sadd.s32 s1, s9;
	[sflag:s28] =	ssyncset.done $0x0  }
0x48: {  	s9 =	sadd.s32 s30, s9;
	[sflag:s28] =	ssyncadd.s32 $0xFFFFC000  }
0x49: {  	[tilespmem:s20], [sflag:$0x1] =	stream.linear.gather [hbm4b:s9+s4], $0x80, $0x38;
	[tilespmem:$0x1E900] =	vst v63  }
0x4a: {  	s13 =	simm.s32 $0x50;
	s30 =	simm.s32 $0x14100  }
0x4b: {  	[spmem:s2] =	stream.indirect.scatter.add.f32 [tilespmem:s24], [sflag:$0x5], $0x80, s30, s23, $0xb8;
	[tilespmem:$0x1E900] =	vst v63  }
0x4c: {  	s9 =	sand.u32 $0x70, s13;
	_ =	swait.ge [sflag:s29], $0x4000  }
0x4d: {  	s6 =	sand.u32 $0xFFFFF80, s12;
	s9 =	sadd.s32 s1, s9;
	[sflag:s29] =	ssyncset.done $0x0  }
0x4e: {  	s6 =	sadd.s32 s6, s9;
	[sflag:s29] =	ssyncadd.s32 $0xFFFFC000  }
0x4f: {  	[tilespmem:s21], [sflag:$0x2] =	stream.linear.gather [hbm4b:s6+s4], $0x80, $0x38;
	[tilespmem:$0x1E900] =	vst v63  }
0x50: {  	s30 =	simm.s32 $0x14180;
	s9 =	simm.s32 $0x14280;
	s6 =	simm.s32 $0x70  }
.LBB2_2:
0x51: {  	[spmem:s2] =	stream.indirect.scatter.add.f32 [tilespmem:s26], [sflag:$0x6], $0x80, s30, s23, $0xb8;
	[tilespmem:$0x1E900] =	vst v63  }
0x52: {  	s10 =	smov.u32 s6;
	s30 =	smov.u32 s9  }
0x53: {  	p0 =	sne.s32 s6, $0x4F0;
	s6 =	sadd.s32 $0x20, s6;
	_ =	swait.ge [sflag:s22], $0x80  }
0x54: {  	[sflag:s22] =	ssyncset.done $0x0  }
0x55: {  	[sflag:s22] =	ssyncadd.s32 $0xFFFFFF80  }
0x56: {  	_ =	swait.ge [sflag:s31], $0x4000  }
0x57: {  	[sflag:s31] =	ssyncset.done $0x0  }
0x58: {  	[sflag:s31] =	ssyncadd.s32 $0xFFFFC000  }
0x59: {  	[tilespmem:s24], [sflag:$0x3] =	stream.indirect.gather [hbm4b:s5+s23], $0x80, s20, s23, $0xb8;
	[tilespmem:$0x1E900] =	vst v63  }
0x5a: {  	_ =	swait.ge [sflag:s25], $0x80  }
0x5b: {  	[sflag:s25] =	ssyncset.done $0x0  }
0x5c: {  	[sflag:s25] =	ssyncadd.s32 $0xFFFFFF80  }
0x5d: {  	_ =	swait.ge [sflag:s0], $0x4000  }
0x5e: {  	[sflag:s0] =	ssyncset.done $0x0  }
0x5f: {  	s11 =	sadd.s32 s10, s16;
	s12 =	sadd.s32 $0xFFFFFFF0, s10;
	[sflag:s0] =	ssyncadd.s32 $0xFFFFC000  }
0x60: {  	[tilespmem:s26], [sflag:$0x4] =	stream.indirect.gather [hbm4b:s5+s23], $0x80, s21, s23, $0xb8;
	[tilespmem:$0x1E900] =	vst v63  }
0x61: {  	s13 =	sadd.s32 $0xFFFFFFF0, s11;
	s12 =	sand.u32 $0x60, s12;
	_ =	swait.ge [sflag:s28], $0x4000  }
0x62: {  	s13 =	sand.u32 $0xFFFFF80, s13;
	s12 =	sadd.s32 s1, s12;
	[sflag:s28] =	ssyncset.done $0x0  }
0x63: {  	s11 =	sand.u32 $0xFFFFF80, s11;
	s12 =	sadd.s32 s13, s12;
	[sflag:s28] =	ssyncadd.s32 $0xFFFFC000  }
0x64: {  	[tilespmem:s20], [sflag:$0x1] =	stream.linear.gather [hbm4b:s12+s4], $0x80, $0x38;
	[tilespmem:$0x1E900] =	vst v63  }
0x65: {  	s12 =	sadd.s32 $0xFFFFFF80, s9  }
0x66: {  	[spmem:s2] =	stream.indirect.scatter.add.f32 [tilespmem:s24], [sflag:$0x5], $0x80, s12, s23, $0xb8;
	[tilespmem:$0x1E900] =	vst v63  }
.Ltmp0:
0x67: {  	s10 =	sand.u32 $0x70, s10;
	_ =	swait.ge [sflag:s29], $0x4000;
	(pc) =	sbr.rel @p0 .LBB2_2-.Ltmp0, $4  }
0x68: {  	s10 =	sadd.s32 s1, s10;
	[sflag:s29] =	ssyncset.done $0x0  }
0x69: {  	s10 =	sadd.s32 s11, s10;
	[sflag:s29] =	ssyncadd.s32 $0xFFFFC000  }
0x6a: {  	[tilespmem:s21], [sflag:$0x2] =	stream.linear.gather [hbm4b:s10+s4], $0x80, $0x38;
	[tilespmem:$0x1E900] =	vst v63  }
0x6b: {  	s9 =	sadd.s32 $0x100, s9  }
0x6c: {  	[spmem:s2] =	stream.indirect.scatter.add.f32 [tilespmem:s26], [sflag:$0x6], $0x80, s30, s23, $0xb8;
	[tilespmem:$0x1E900] =	vst v63  }
0x6d: {  	_ =	swait.ge [sflag:s22], $0x80  }
0x6e: {  	[sflag:s22] =	ssyncset.done $0x0  }
0x6f: {  	[sflag:s22] =	ssyncadd.s32 $0xFFFFFF80  }
0x70: {  	_ =	swait.ge [sflag:s31], $0x4000  }
0x71: {  	[sflag:s31] =	ssyncset.done $0x0  }
0x72: {  	[sflag:s31] =	ssyncadd.s32 $0xFFFFC000  }
0x73: {  	[tilespmem:s24], [sflag:$0x3] =	stream.indirect.gather [hbm4b:s5+s23], $0x80, s20, s23, $0xb8;
	[tilespmem:$0x1E900] =	vst v63  }
0x74: {  	_ =	swait.ge [sflag:s25], $0x80  }
0x75: {  	[sflag:s25] =	ssyncset.done $0x0  }
0x76: {  	[sflag:s25] =	ssyncadd.s32 $0xFFFFFF80  }
0x77: {  	_ =	swait.ge [sflag:s0], $0x4000  }
0x78: {  	[sflag:s0] =	ssyncset.done $0x0  }
0x79: {  	[sflag:s0] =	ssyncadd.s32 $0xFFFFC000  }
0x7a: {  	[tilespmem:s26], [sflag:$0x4] =	stream.indirect.gather [hbm4b:s5+s23], $0x80, s21, s23, $0xb8;
	[tilespmem:$0x1E900] =	vst v63  }
0x7b: {  	_ =	swait.ge [sflag:s28], $0x4000  }
0x7c: {  	[sflag:s28] =	ssyncset.done $0x0  }
0x7d: {  	[sflag:s28] =	ssyncadd.s32 $0xFFFFC000  }
0x7e: {  	[tilespmem:s20], [sflag:$0x1] =	stream.linear.gather [hbm4b:s14+s4], $0x80, $0x38;
	[tilespmem:$0x1E900] =	vst v63  }
0x7f: {  	s6 =	simm.s32 $0x16700  }
0x80: {  	[spmem:s2] =	stream.indirect.scatter.add.f32 [tilespmem:s24], [sflag:$0x5], $0x80, s6, s23, $0xb8;
	[tilespmem:$0x1E900] =	vst v63  }
0x81: {  	_ =	swait.ge [sflag:s29], $0x4000  }
0x82: {  	[sflag:s29] =	ssyncset.done $0x0  }
0x83: {  	[sflag:s29] =	ssyncadd.s32 $0xFFFFC000  }
0x84: {  	[tilespmem:s21], [sflag:$0x2] =	stream.linear.gather [hbm4b:s14+s4], $0x80, $0x38;
	[tilespmem:$0x1E900] =	vst v63  }
0x85: {  	s13 =	simm.s32 $0x16780  }
0x86: {  	[spmem:s2] =	stream.indirect.scatter.add.f32 [tilespmem:s26], [sflag:$0x6], $0x80, s13, s23, $0xb8;
	[tilespmem:$0x1E900] =	vst v63  }
0x87: {  	_ =	swait.ge [sflag:s22], $0x80  }
0x88: {  	[sflag:s22] =	ssyncset.done $0x0  }
0x89: {  	[sflag:s22] =	ssyncadd.s32 $0xFFFFFF80  }
0x8a: {  	_ =	swait.ge [sflag:s31], $0x4000  }
0x8b: {  	[sflag:s31] =	ssyncset.done $0x0  }
0x8c: {  	[sflag:s31] =	ssyncadd.s32 $0xFFFFC000  }
0x8d: {  	_ =	swait.ge [sflag:s25], $0x80  }
0x8e: {  	[sflag:s25] =	ssyncset.done $0x0  }
0x8f: {  	[sflag:s25] =	ssyncadd.s32 $0xFFFFFF80  }
0x90: {  	_ =	swait.ge [sflag:s0], $0x4000  }
0x91: {  	[sflag:s0] =	ssyncset.done $0x0  }
0x92: {  	[sflag:s0] =	ssyncadd.s32 $0xFFFFC000  }
0x93: {  	[bflag:$0x0] =	sbarrier.arrive $0xFFFF  }
0x94: {  	[hbm:s15], [sflag:s8] =	dma.local [spmem:s17], $0x2800  }
0x95: {  	_ =	swait.ge [sflag:s18], $0x2800  }
0x96: {  	s3 =	sadd.s32 $0x1, s3;
	s30 =	rddreg [dreg:$0x8]  }
0x97: {  	p0 =	sne.s32 s3, s30  }
.Ltmp1:
0x98: {  	_ = 	snop;
	(pc) =	sbr.rel @p0 .LBB2_1-.Ltmp1, $3  }
0x99: {  	_ =	sdelay $0x1  }
0x9a: {  	[sflag:s18] =	ssyncset.done $0x0  }
0x9b: {  	[sflag:s18] =	ssyncadd.s32 $0xFFFFD800  }
0x9c: {  	_ =	sfence.sel $0x180000  }
0x9d: {  	[bflag:$0x0] =	sbarrier.arrive $0xFFFF  }
0x9e: {  	_ =	strace $0x9000004A  }
0x9f: {  	s0 =	stileid.u32;
	[bflag:$0x2] =	sbarrier.arrive $0xFFFF  }
0xa0: {  	p0 =	sne.s32 s0, $0x0;
	s0 =	rddreg [dreg:$0x4]  }
0xa1: {  	s0 =	sadd.s32 @!p0 $0x100000, s0  }
0xa2: {  	[sflag:s0] =	ssyncadd.tile.s32 @!p0 $0x1;
	_ =	shalt  }
.Lfunc_end2:
_tile_overlayer_lowered:
.L_overlay_start_2:
0xa3: {  	(tag) =	ssettag $0x2  }
0xa4: {  	s0 =	rddreg [dreg:$0x0];
	s2 =	stileid.u32  }
0xa5: {  	s1 =	rddreg [dreg:$0x1];
	p0 =	sne.s32 s2, $0x0  }
0xa6: {  	s3 =	rddreg [dreg:$0x2];
	[bflag:$0x3] =	sbarrier.arrive $0xFFFF;
	s2 =	simm.s32 @!p0 $0x1C07  }
0xa7: {  	[timem:s3], [sflag:s2] =	dma.local @!p0 [hbm:s0], s1  }
0xa8: {  	s0 =	simm.s32 @!p0 $0x7  }
0xa9: {  	_ =	swait.ge @!p0 [sflag:s0], s1  }
0xaa: {  	s1 =	ssub.s32 @!p0 $0x0, s1;
	[sflag:s0] =	ssyncset.done @!p0 $0x0  }
0xab: {  	[sflag:s0] =	ssyncadd.s32 @!p0 s1  }
0xac: {  	[bflag:$0x3] =	sbarrier.arrive $0xFFFF  }
0xad: {  	_ =	shalt  }

// kernel: kernel.14.cloned.1.call-start
scs
__scs_entry_jumppad:
0x0: {  	(pc) =	sbr.rel $0x88, $3  }
0x1: {  	(tag) =	ssettag $0x0;
	lr =	simm.s32 $0x1  }
0x2: {  	[smem:$0x3F99] =	sst lr;
	_ =	strace $0xD0000000  }
0x3: {  	_ = 	snop  }
0x4: {  	_ = 	snop  }
0x5: {  	_ = 	snop  }
0x6: {  	_ = 	snop  }
0x7: {  	_ = 	snop  }
__scs_overlays_trampoline_lowered:
0x8: {  	[smem:$0x3FA8] =	sst s0  }
0x9: {  	[smem:$0x3FA9] =	sst s1  }
0xa: {  	[smem:$0x3FAA] =	sst s2  }
0xb: {  	[smem:$0x3FAB] =	sst s3  }
0xc: {  	[smem:$0x3FAC] =	sst s4  }
0xd: {  	[smem:$0x3FAD] =	sst s5  }
0xe: {  	[smem:$0x3FAE] =	sst s6  }
0xf: {  	[smem:$0x3FAF] =	sst s7  }
0x10: {  	[smem:$0x3FB0] =	sst s8  }
0x11: {  	[smem:$0x3FB1] =	sst s9;
	s0 =	simm.s32 @!p0 $0x0  }
0x12: {  	s1 =	sld [smem:$0x3F97];
	s0 =	simm.s32 @p0 $0x1  }
0x13: {  	[smem:$0x3FB2] =	sst s0;
	s0 =	simm.s32 @!p1 $0x0  }
0x14: {  	s2 =	sld [smem:$0x3F96];
	s0 =	simm.s32 @p1 $0x1  }
0x15: {  	[smem:$0x3FB3] =	sst s0;
	s0 =	simm.s32 @!p2 $0x0  }
0x16: {  	s3 =	sld [smem:$0x3FDB];
	s0 =	simm.s32 @p2 $0x1  }
0x17: {  	s4 =	simm.s32 $0x1BF5;
	[smem:$0x3FB5] =	sst s0  }
0x18: {  	s0 =	sld [smem:$0x3F98];
	_ =	swait.ge [sflag:s4], $0x0  }
0x19: {  	s7 =	sld [smem:$0x3F99]  }
0x1a: {  	s8 =	sadd.s32 $0xFFFFE003, lr  }
0x1b: {  	s9 =	sadd.s32 $0xFFFFFEF7, lr;
	s5 =	simm.s32 $0xFFFFFFFF;
	p2 =	slt.u32 s8, $0xFFFFF086  }
0x1c: {  	p1 =	slt.u32 s9, $0xF7A;
	s5 =	simm.s32 @!p2 $0x0  }
0x1d: {  	s5 =	simm.s32 @p1 $0x1;
	p0 =	seq.s32 s7, s2  }
0x1e: {  	s7 =	smul.u32 @!p0 $0xF7A, s2;
	p2 =	seq.s32 @!p0 s5, $0x0  }
0x1f: {  	s9 =	smul.u32 $0xF7A, s1;
	s8 =	simm.s32 @!p0 $0x1BF5;
	p2 =	por !p2, p0  }
0x20: {  	[sflag:s8] =	ssyncset.s32 @!p0 $0xFFFFF086;
	s6 =	sadd.s32 @!p0 s3, s7;
	s7 =	simm.s32 @!p0 $0x108  }
0x21: {  	s3 =	sadd.s32 s3, s9;
	s6 =	sadd.s32 @!p0 $0x88, s6;
	s7 =	simm.s32 @p2 $0x1082  }
0x22: {  	[simem:s7], [sflag:s8] =	dma.local @!p0 [hbm:s6], $0xF7A  }
0x23: {  	s9 =	sor.u32 $0xD0000000, s2;
	s6 =	simm.s32 $0x108;
	_ =	swait.ge @!p0 [sflag:s8], $0x0  }
0x24: {  	s3 =	sadd.s32 $0x88, s3;
	s6 =	simm.s32 @!p1 $0x1082;
	[sflag:s4] =	ssyncset.s32 $0xFFFFF086  }
0x25: {  	[simem:s6], [sflag:s4] =	dma.local [hbm:s3], $0xF7A  }
0x26: {  	[smem:$0x3F99] =	sst s1;
	(tag) =	ssettag s2;
	_ =	strace s9  }
0x27: {  	s1 =	sld [smem:$0x3FA9]  }
0x28: {  	s2 =	sld [smem:$0x3FAA]  }
0x29: {  	s4 =	sld [smem:$0x3FAC]  }
0x2a: {  	p0 =	seq.s32 s5, $0x0;
	s5 =	sld [smem:$0x3FAD]  }
0x2b: {  	s6 =	sld [smem:$0x3FAE]  }
0x2c: {  	s7 =	sld [smem:$0x3FAF]  }
0x2d: {  	s3 =	simm.s32 $0x108;
	s8 =	sld [smem:$0x3FB0]  }
0x2e: {  	s3 =	simm.s32 @!p0 $0x1082;
	s9 =	sld [smem:$0x3FB1]  }
0x2f: {  	lr =	sadd.s32 s0, s3;
	s0 =	sld [smem:$0x3FA8]  }
0x30: {  	s3 =	sld [smem:$0x3FAB]  }
0x31: {  	[smem:$0x3FB4] =	sst s10  }
0x32: {  	s10 =	sld [smem:$0x3FB2];
	_ =	sdelay $0x3  }
0x33: {  	p0 =	seq.s32 s10, $0x1;
	s10 =	sld [smem:$0x3FB4];
	_ =	sdelay $0x3  }
0x34: {  	[smem:$0x3FB4] =	sst s10  }
0x35: {  	s10 =	sld [smem:$0x3FB3];
	_ =	sdelay $0x3  }
0x36: {  	p1 =	seq.s32 s10, $0x1;
	s10 =	sld [smem:$0x3FB4];
	_ =	sdelay $0x3  }
0x37: {  	[smem:$0x3FB4] =	sst s10  }
0x38: {  	s10 =	sld [smem:$0x3FB5]  }
0x39: {  	_ = 	snop;
	(pc) =	sbr.ind lr, $3  }
0x3a: {  	_ = 	snop  }
0x3b: {  	_ = 	snop  }
0x3c: {  	p2 =	seq.s32 s10, $0x1;
	s10 =	sld [smem:$0x3FB4]  }
0x3d: {  	_ =	shalt  }
0x3e: {  	_ =	shalt  }
0x3f: {  	_ =	shalt  }
0x40: {  	_ =	shalt  }
0x41: {  	_ =	shalt  }
0x42: {  	_ =	shalt  }
0x43: {  	_ =	shalt  }
0x44: {  	_ =	shalt  }
0x45: {  	_ =	shalt  }
0x46: {  	_ =	shalt  }
0x47: {  	_ =	shalt  }
0x48: {  	_ =	shalt  }
0x49: {  	_ =	shalt  }
0x4a: {  	_ =	shalt  }
0x4b: {  	_ =	shalt  }
0x4c: {  	_ =	shalt  }
0x4d: {  	_ =	shalt  }
0x4e: {  	_ =	shalt  }
0x4f: {  	_ =	shalt  }
0x50: {  	_ =	shalt  }
0x51: {  	_ =	shalt  }
0x52: {  	_ =	shalt  }
0x53: {  	_ =	shalt  }
0x54: {  	_ =	shalt  }
0x55: {  	_ =	shalt  }
0x56: {  	_ =	shalt  }
0x57: {  	_ =	shalt  }
0x58: {  	_ =	shalt  }
0x59: {  	_ =	shalt  }
0x5a: {  	_ =	shalt  }
0x5b: {  	_ =	shalt  }
0x5c: {  	_ =	shalt  }
0x5d: {  	_ =	shalt  }
0x5e: {  	_ =	shalt  }
0x5f: {  	_ =	shalt  }
0x60: {  	_ =	shalt  }
0x61: {  	_ =	shalt  }
0x62: {  	_ =	shalt  }
0x63: {  	_ =	shalt  }
0x64: {  	_ =	shalt  }
0x65: {  	_ =	shalt  }
0x66: {  	_ =	shalt  }
0x67: {  	_ =	shalt  }
0x68: {  	_ =	shalt  }
0x69: {  	_ =	shalt  }
0x6a: {  	_ =	shalt  }
0x6b: {  	_ =	shalt  }
0x6c: {  	_ =	shalt  }
0x6d: {  	_ =	shalt  }
0x6e: {  	_ =	shalt  }
0x6f: {  	_ =	shalt  }
0x70: {  	_ =	shalt  }
0x71: {  	_ =	shalt  }
0x72: {  	_ =	shalt  }
0x73: {  	_ =	shalt  }
0x74: {  	_ =	shalt  }
0x75: {  	_ =	shalt  }
0x76: {  	_ =	shalt  }
0x77: {  	_ =	shalt  }
0x78: {  	_ =	shalt  }
0x79: {  	_ =	shalt  }
0x7a: {  	_ =	shalt  }
0x7b: {  	_ =	shalt  }
0x7c: {  	_ =	shalt  }
0x7d: {  	_ =	shalt  }
0x7e: {  	_ =	shalt  }
0x7f: {  	_ =	shalt  }
0x80: {  	_ =	shalt  }
0x81: {  	_ =	shalt  }
0x82: {  	_ =	shalt  }
0x83: {  	_ =	shalt  }
0x84: {  	_ =	shalt  }
0x85: {  	_ =	shalt  }
0x86: {  	_ =	shalt  }
0x87: {  	_ =	shalt  }
.Lfunc_end0:
.L_simem_size_0:
called_computation.2_lowered:
.L_overlay_start_0:
0x88: {  	s2 =	sld [smem:$0x3FD9]  }
0x89: {  	s3 =	sld [smem:$0x3FFE];
	_ =	sdelay $0x1  }
0x8a: {  	s1 =	srdreg.scid  }
0x8b: {  	s0 =	sand.u32 $0x1, s1  }
0x8c: {  	s14 =	sshll.u32 s0, $0xA;
	s2 =	sadd.s32 s3, s2  }
0x8d: {  	s2 =	sadd.s32 s2, s14  }
0x8e: {  	[smem:$0x3FC0] =	sst s2  }
0x8f: {  	_ = 	snop  }
0x90: {  	s2 =	sld [smem:$0x3FD0];
	_ =	sdelay $0x2  }
0x91: {  	s15 =	simm.s32 $0xA;
	s4 =	simm.s32 $0x10  }
0x92: {  	[smem:s4], [sflag:s15] =	dma.local [hbm:s2], $0x1  }
0x93: {  	_ =	swait.eq [sflag:s15], $0x1  }
0x94: {  	[sflag:s15] =	ssyncset.done $0x0  }
0x95: {  	s16 =	sld [smem:$0x10];
	[sflag:s15] =	ssyncadd.s32 $0xFFFFFFFF  }
0x96: {  	s17 =	sld [smem:$0x11];
	(tm) =	ssettm $0x1  }
0x97: {  	s18 =	sld [smem:$0x3FFB];
	_ =	sdelay $0x3  }
0x98: {  	_ =	strace s18  }
0x99: {  	s4 =	sld [smem:$0x3FFC];
	_ =	sdelay $0x3  }
0x9a: {  	_ =	strace s4  }
0x9b: {  	s4 =	sld [smem:$0x3FFD];
	_ =	sdelay $0x3  }
0x9c: {  	_ =	strace s4  }
0x9d: {  	_ =	strace $0x8FFFFFFF  }
0x9e: {  	s19 =	sld [smem:$0x3FDB];
	_ =	sdelay $0x1  }
0x9f: {  	s5 =	simm.s32 $_scs_section_size  }
0xa0: {  	s6 =	simm.s32 $_size__tile_overlayer_lowered;
	s7 =	simm.s32 $_tile_overlayer_lowered  }
0xa1: {  	s22 =	simm.s32 $0x1BFF;
	s21 =	sshll.u32 s7, $0x1;
	s4 =	sadd.s32 s5, s19  }
0xa2: {  	s8 =	simm.s32 $0x0;
	s20 =	sshll.u32 s6, $0x1;
	s6 =	sadd.s32 s21, s4  }
0xa3: {  	[timem:s8], [sflag:s22] =	dma.local [hbm:s6], s20  }
0xa4: {  	_ =	swait.ge [sflag:s22], s20  }
0xa5: {  	s5 =	ssub.s32 $0x0, s20;
	[sflag:s22] =	ssyncset.done $0x0  }
0xa6: {  	[sflag:s22] =	ssyncadd.s32 s5;
	_ =	sdelay $0x1  }
0xa7: {  	s23 =	simm.s32 $0x1B8B  }
0xa8: {  	_ =	swait.ge [sflag:s23], $0x1  }
0xa9: {  	[sflag:s23] =	ssyncset.done $0x0  }
0xaa: {  	s25 =	simm.s32 $0x1B8E;
	s24 =	sld [smem:$0x3FFE];
	[sflag:s23] =	ssyncadd.s32 $0xFFFFFFFF  }
0xab: {  	s26 =	simm.s32 $execute0_lowered;
	[smem:$0x3FD2] =	sst s25  }
0xac: {  	s6 =	sshll.u32 s26, $0x1;
	_ =	strace $0x8000004C;
	[dreg:$0x1] =	wrdreg $0xFFFFFFFF  }
0xad: {  	s28 =	simm.s32 $_size_execute0_lowered;
	s4 =	sadd.s32 s4, s6;
	[dreg:$0x0] =	wrdreg $0x0  }
0xae: {  	s6 =	sshll.u32 s28, $0x1;
	[dreg:$0x2] =	wrdreg s4  }
0xaf: {  	[dreg:$0x3] =	wrdreg s6  }
0xb0: {  	[dreg:$0x4] =	wrdreg $0xC0  }
0xb1: {  	_ =	task [dreg:s8], $0x5FFFF  }
0xb2: {  	[dreg:$0x1] =	wrdreg $0xFFFFFFFF  }
0xb3: {  	[dreg:$0x0] =	wrdreg $0x60  }
0xb4: {  	[dreg:$0x2] =	wrdreg s24  }
0xb5: {  	[dreg:$0x3] =	wrdreg s16  }
0xb6: {  	[dreg:$0x4] =	wrdreg s17  }
0xb7: {  	[dreg:$0x5] =	wrdreg $0x0  }
0xb8: {  	[dreg:$0x6] =	wrdreg $0x9  }
0xb9: {  	_ =	task.clear_ibuf [dreg:s8], $0x7FFFF;
	_ =	strace $0x9000004C  }
0xba: {  	s29 =	simm.s32 $0x9;
	_ =	strace $0x8000004E  }
0xbb: {  	_ =	swait.ge [sflag:s29], $0x1  }
0xbc: {  	[sflag:s29] =	ssyncadd.s32 $0xFFFFFFFF  }
0xbd: {  	_ =	strace $0x9000004E  }
0xbe: {  	_ =	sfence  }
0xbf: {  	s30 =	sld [smem:$0x0];
	_ =	sdelay $0x2  }
0xc0: {  	s31 =	sshll.u32 s1, $0xD;
	s1 =	sshrl.u32 s1, $0x2  }
0xc1: {  	s3 =	sand.u32 $0x4000, s31;
	s1 =	sadd.s32 s1, s30  }
0xc2: {  	s0 =	sor.u32 s3, s0;
	s1 =	sshll.u32 s1, $0x11  }
0xc3: {  	s0 =	sor.u32 s1, s0  }
0xc4: {  	s0 =	sadd.s32 $0x8F2B, s0  }
0xc5: {  	[sflag:s0] =	ssyncadd.remote.s32 $0x1  }
0xc6: {  	_ =	sfence.sel $0xFFFF  }
0xc7: {  	[dreg:$0x0] =	wrdreg $0xFFFFFFFF;
	(pc) =	sbr.abs _section_cstart, $3  }
0xc8: {  	[dreg:$0x1] =	wrdreg $0xFFFFFFFF  }
0xc9: {  	_ =	task.clear_ibuf [dreg:s8], $0x2FFFF;
	_ =	strace $0x9FFFFFFF  }
0xca: {  	(tm) =	ssettm $0x7FFFFFFF  }
0xcb: {  	_ =	shalt  }
tec
execute0_lowered:
.L_overlay_start_1:
0x0: {  	(tag) =	ssettag $0x1  }
0x1: {  	s0 =	rddreg [dreg:$0x0]  }
0x2: {  	s1 =	rddreg [dreg:$0x1]  }
0x3: {  	s3 =	rddreg [dreg:$0x2]  }
0x4: {  	s2 =	rddreg [dreg:$0x3];
	s4 =	simm.s32 $0x0;
	s5 =	srdreg.scid  }
0x5: {  	s14 =	stileid.u32;
	s18 =	simm.s32 $0x7;
	s19 =	simm.s32 $0x14000  }
0x6: {  	s20 =	simm.s32 $0x16800;
	s21 =	simm.s32 $0x16880;
	s28 =	simm.s32 $0x3  }
0x7: {  	s29 =	simm.s32 $0x4;
	s31 =	simm.s32 $0x5;
	s22 =	smul.u32 $0x50000, s14  }
0x8: {  	[smem:$0x7FF] =	sst s4;
	s6 =	sand.u32 $0x1, s5;
	s9 =	smul.u32 $0x2800, s14  }
0x9: {  	s5 =	sadd.s32 $0x4400, s0;
	s24 =	sshll.u32 s14, $0x6;
	s16 =	smul.u32 $0x500, s14  }
0xa: {  	_ =	strace $0x8000004D;
	s7 =	sshll.u32 s6, $0x4;
	s8 =	ssub.s32 $0x2, s6  }
0xb: {  	p0 =	seq.s32 s6, $0x1;
	s6 =	smul.u32 $0x5000, s6;
	s7 =	sor.u32 s14, s7  }
0xc: {  	s10 =	sshrl.u32 s8, $0x1;
	s11 =	sshrl.u32 s22, $0x2;
	s23 =	sadd.s32 s5, s9  }
0xd: {  	s22 =	simm.s32 $0x1;
	s12 =	smul.u32 $0x500, s7;
	s13 =	ssub.s32 s8, s10  }
0xe: {  	s17 =	sadd.s32 s11, s2;
	[dreg:$0x5] =	wrdreg s23;
	s8 =	sor.u32 $0x1C07, s24  }
0xf: {  	s16 =	sadd.s32 s16, s6;
	s23 =	simm.s32 $0x80;
	s10 =	smax.u32 s13, $0x1  }
0x10: {  	s7 =	sadd.s32 s1, s12;
	s3 =	sadd.s32 s3, s12;
	[dreg:$0x8] =	wrdreg s10  }
0x11: {  	s24 =	simm.s32 $0x16900;
	[dreg:$0x6] =	wrdreg s3;
	s25 =	sadd.s32 $0x10, s7  }
0x12: {  	s17 =	sshrl.u32 s17, $0x3;
	s26 =	sadd.s32 $0x20, s7;
	[dreg:$0x7] =	wrdreg s25  }
0x13: {  	s3 =	simm.s32 $0x54400;
	s30 =	sadd.s32 $0x30, s7;
	[dreg:$0x9] =	wrdreg s26  }
0x14: {  	s14 =	sadd.s32 $0x4F0, s7;
	s3 =	simm.s32 @!p0 $0x2C400;
	[dreg:$0xa] =	wrdreg s30  }
0x15: {  	s25 =	simm.s32 $0x2;
	s26 =	simm.s32 $0x1A900;
	s0 =	sadd.s32 s3, s0  }
0x16: {  	s3 =	simm.s32 $0x0;
	s15 =	sadd.s32 s0, s9;
	s0 =	simm.s32 $0x6  }
.LBB2_1:
0x17: {  	s6 =	rddreg [dreg:$0x5]  }
0x18: {  	[spmem:s17], [sflag:s8] =	dma.local [hbm:s6], $0x2800  }
0x19: {  	_ =	swait.ge [sflag:s18], $0x2800  }
0x1a: {  	[sflag:s18] =	ssyncset.done $0x0  }
0x1b: {  	s12 =	rddreg [dreg:$0x6];
	[sflag:s18] =	ssyncadd.s32 $0xFFFFD800  }
0x1c: {  	[tilespmem:s19], [sflag:$0x7] =	stream.linear.gather [hbm4b:s12+s4], $0x2800, $0x38;
	[tilespmem:$0x1E900] =	vst v63  }
0x1d: {  	_ =	swait.ge [sflag:s18], $0x2800  }
0x1e: {  	[sflag:s18] =	ssyncset.done $0x0  }
0x1f: {  	[sflag:s18] =	ssyncadd.s32 $0xFFFFD800  }
0x20: {  	[tilespmem:s20], [sflag:$0x1] =	stream.linear.gather [hbm4b:s7+s4], $0x80, $0x38;
	[tilespmem:$0x1E900] =	vst v63  }
0x21: {  	s13 =	rddreg [dreg:$0x7]  }
0x22: {  	[tilespmem:s21], [sflag:$0x2] =	stream.linear.gather [hbm4b:s13+s4], $0x80, $0x38;
	[tilespmem:$0x1E900] =	vst v63  }
0x23: {  	[bflag:$0x0] =	sbarrier.arrive $0xFFFF  }
0x24: {  	_ =	swait.ge [sflag:s22], $0x80  }
0x25: {  	[sflag:s22] =	ssyncset.done $0x0  }
0x26: {  	[sflag:s22] =	ssyncadd.s32 $0xFFFFFF80  }
0x27: {  	[tilespmem:s24], [sflag:$0x3] =	stream.indirect.gather [hbm4b:s5+s23], $0x80, s20, s23, $0xb8;
	[tilespmem:$0x1E900] =	vst v63  }
0x28: {  	_ =	swait.ge [sflag:s25], $0x80  }
0x29: {  	[sflag:s25] =	ssyncset.done $0x0  }
0x2a: {  	[sflag:s25] =	ssyncadd.s32 $0xFFFFFF80  }
0x2b: {  	[tilespmem:s26], [sflag:$0x4] =	stream.indirect.gather [hbm4b:s5+s23], $0x80, s21, s23, $0xb8;
	[tilespmem:$0x1E900] =	vst v63  }
0x2c: {  	_ =	swait.ge [sflag:s28], $0x4000  }
0x2d: {  	[sflag:s28] =	ssyncset.done $0x0  }
0x2e: {  	s9 =	rddreg [dreg:$0x9];
	[sflag:s28] =	ssyncadd.s32 $0xFFFFC000  }
0x2f: {  	[tilespmem:s20], [sflag:$0x1] =	stream.linear.gather [hbm4b:s9+s4], $0x80, $0x38;
	[tilespmem:$0x1E900] =	vst v63  }
0x30: {  	_ = 	snop  }
0x31: {  	[spmem:s2] =	stream.indirect.scatter.add.f32 [tilespmem:s24], [sflag:$0x5], $0x80, s19, s23, $0xb8;
	[tilespmem:$0x1E900] =	vst v63  }
0x32: {  	_ =	swait.ge [sflag:s29], $0x4000  }
0x33: {  	[sflag:s29] =	ssyncset.done $0x0  }
0x34: {  	s10 =	rddreg [dreg:$0xa];
	[sflag:s29] =	ssyncadd.s32 $0xFFFFC000  }
0x35: {  	[tilespmem:s21], [sflag:$0x2] =	stream.linear.gather [hbm4b:s10+s4], $0x80, $0x38;
	[tilespmem:$0x1E900] =	vst v63  }
0x36: {  	s11 =	simm.s32 $0x14080  }
0x37: {  	[spmem:s2] =	stream.indirect.scatter.add.f32 [tilespmem:s26], [sflag:$0x6], $0x80, s11, s23, $0xb8;
	[tilespmem:$0x1E900] =	vst v63  }
0x38: {  	_ =	swait.ge [sflag:s22], $0x80  }
0x39: {  	[sflag:s22] =	ssyncset.done $0x0  }
0x3a: {  	[sflag:s22] =	ssyncadd.s32 $0xFFFFFF80  }
0x3b: {  	_ =	swait.ge [sflag:s31], $0x4000  }
0x3c: {  	[sflag:s31] =	ssyncset.done $0x0  }
0x3d: {  	[sflag:s31] =	ssyncadd.s32 $0xFFFFC000  }
0x3e: {  	[tilespmem:s24], [sflag:$0x3] =	stream.indirect.gather [hbm4b:s5+s23], $0x80, s20, s23, $0xb8;
	[tilespmem:$0x1E900] =	vst v63  }
0x3f: {  	_ =	swait.ge [sflag:s25], $0x80  }
0x40: {  	[sflag:s25] =	ssyncset.done $0x0  }
0x41: {  	[sflag:s25] =	ssyncadd.s32 $0xFFFFFF80  }
0x42: {  	_ =	swait.ge [sflag:s0], $0x4000  }
0x43: {  	[sflag:s0] =	ssyncset.done $0x0  }
0x44: {  	s12 =	sadd.s32 $0x50, s16;
	s9 =	simm.s32 $0x40;
	[sflag:s0] =	ssyncadd.s32 $0xFFFFC000  }
0x45: {  	[tilespmem:s26], [sflag:$0x4] =	stream.indirect.gather [hbm4b:s5+s23], $0x80, s21, s23, $0xb8;
	[tilespmem:$0x1E900] =	vst v63  }
0x46: {  	s30 =	sadd.s32 $0xFFFFFFF0, s12;
	s9 =	sand.u32 $0x60, s9;
	_ =	swait.ge [sflag:s28], $0x4000  }
0x47: {  	s30 =	sand.u32 $0xFFFFF80, s30;
	s9 =	sadd.s32 s1, s9;
	[sflag:s28] =	ssyncset.done $0x0  }
0x48: {  	s9 =	sadd.s32 s30, s9;
	[sflag:s28] =	ssyncadd.s32 $0xFFFFC000  }
0x49: {  	[tilespmem:s20], [sflag:$0x1] =	stream.linear.gather [hbm4b:s9+s4], $0x80, $0x38;
	[tilespmem:$0x1E900] =	vst v63  }
0x4a: {  	s13 =	simm.s32 $0x50;
	s30 =	simm.s32 $0x14100  }
0x4b: {  	[spmem:s2] =	stream.indirect.scatter.add.f32 [tilespmem:s24], [sflag:$0x5], $0x80, s30, s23, $0xb8;
	[tilespmem:$0x1E900] =	vst v63  }
0x4c: {  	s9 =	sand.u32 $0x70, s13;
	_ =	swait.ge [sflag:s29], $0x4000  }
0x4d: {  	s6 =	sand.u32 $0xFFFFF80, s12;
	s9 =	sadd.s32 s1, s9;
	[sflag:s29] =	ssyncset.done $0x0  }
0x4e: {  	s6 =	sadd.s32 s6, s9;
	[sflag:s29] =	ssyncadd.s32 $0xFFFFC000  }
0x4f: {  	[tilespmem:s21], [sflag:$0x2] =	stream.linear.gather [hbm4b:s6+s4], $0x80, $0x38;
	[tilespmem:$0x1E900] =	vst v63  }
0x50: {  	s30 =	simm.s32 $0x14180;
	s9 =	simm.s32 $0x14280;
	s6 =	simm.s32 $0x70  }
.LBB2_2:
0x51: {  	[spmem:s2] =	stream.indirect.scatter.add.f32 [tilespmem:s26], [sflag:$0x6], $0x80, s30, s23, $0xb8;
	[tilespmem:$0x1E900] =	vst v63  }
0x52: {  	s10 =	smov.u32 s6;
	s30 =	smov.u32 s9  }
0x53: {  	p0 =	sne.s32 s6, $0x4F0;
	s6 =	sadd.s32 $0x20, s6;
	_ =	swait.ge [sflag:s22], $0x80  }
0x54: {  	[sflag:s22] =	ssyncset.done $0x0  }
0x55: {  	[sflag:s22] =	ssyncadd.s32 $0xFFFFFF80  }
0x56: {  	_ =	swait.ge [sflag:s31], $0x4000  }
0x57: {  	[sflag:s31] =	ssyncset.done $0x0  }
0x58: {  	[sflag:s31] =	ssyncadd.s32 $0xFFFFC000  }
0x59: {  	[tilespmem:s24], [sflag:$0x3] =	stream.indirect.gather [hbm4b:s5+s23], $0x80, s20, s23, $0xb8;
	[tilespmem:$0x1E900] =	vst v63  }
0x5a: {  	_ =	swait.ge [sflag:s25], $0x80  }
0x5b: {  	[sflag:s25] =	ssyncset.done $0x0  }
0x5c: {  	[sflag:s25] =	ssyncadd.s32 $0xFFFFFF80  }
0x5d: {  	_ =	swait.ge [sflag:s0], $0x4000  }
0x5e: {  	[sflag:s0] =	ssyncset.done $0x0  }
0x5f: {  	s11 =	sadd.s32 s10, s16;
	s12 =	sadd.s32 $0xFFFFFFF0, s10;
	[sflag:s0] =	ssyncadd.s32 $0xFFFFC000  }
0x60: {  	[tilespmem:s26], [sflag:$0x4] =	stream.indirect.gather [hbm4b:s5+s23], $0x80, s21, s23, $0xb8;
	[tilespmem:$0x1E900] =	vst v63  }
0x61: {  	s13 =	sadd.s32 $0xFFFFFFF0, s11;
	s12 =	sand.u32 $0x60, s12;
	_ =	swait.ge [sflag:s28], $0x4000  }
0x62: {  	s13 =	sand.u32 $0xFFFFF80, s13;
	s12 =	sadd.s32 s1, s12;
	[sflag:s28] =	ssyncset.done $0x0  }
0x63: {  	s11 =	sand.u32 $0xFFFFF80, s11;
	s12 =	sadd.s32 s13, s12;
	[sflag:s28] =	ssyncadd.s32 $0xFFFFC000  }
0x64: {  	[tilespmem:s20], [sflag:$0x1] =	stream.linear.gather [hbm4b:s12+s4], $0x80, $0x38;
	[tilespmem:$0x1E900] =	vst v63  }
0x65: {  	s12 =	sadd.s32 $0xFFFFFF80, s9  }
0x66: {  	[spmem:s2] =	stream.indirect.scatter.add.f32 [tilespmem:s24], [sflag:$0x5], $0x80, s12, s23, $0xb8;
	[tilespmem:$0x1E900] =	vst v63  }
.Ltmp0:
0x67: {  	s10 =	sand.u32 $0x70, s10;
	_ =	swait.ge [sflag:s29], $0x4000;
	(pc) =	sbr.rel @p0 .LBB2_2-.Ltmp0, $4  }
0x68: {  	s10 =	sadd.s32 s1, s10;
	[sflag:s29] =	ssyncset.done $0x0  }
0x69: {  	s10 =	sadd.s32 s11, s10;
	[sflag:s29] =	ssyncadd.s32 $0xFFFFC000  }
0x6a: {  	[tilespmem:s21], [sflag:$0x2] =	stream.linear.gather [hbm4b:s10+s4], $0x80, $0x38;
	[tilespmem:$0x1E900] =	vst v63  }
0x6b: {  	s9 =	sadd.s32 $0x100, s9  }
0x6c: {  	[spmem:s2] =	stream.indirect.scatter.add.f32 [tilespmem:s26], [sflag:$0x6], $0x80, s30, s23, $0xb8;
	[tilespmem:$0x1E900] =	vst v63  }
0x6d: {  	_ =	swait.ge [sflag:s22], $0x80  }
0x6e: {  	[sflag:s22] =	ssyncset.done $0x0  }
0x6f: {  	[sflag:s22] =	ssyncadd.s32 $0xFFFFFF80  }
0x70: {  	_ =	swait.ge [sflag:s31], $0x4000  }
0x71: {  	[sflag:s31] =	ssyncset.done $0x0  }
0x72: {  	[sflag:s31] =	ssyncadd.s32 $0xFFFFC000  }
0x73: {  	[tilespmem:s24], [sflag:$0x3] =	stream.indirect.gather [hbm4b:s5+s23], $0x80, s20, s23, $0xb8;
	[tilespmem:$0x1E900] =	vst v63  }
0x74: {  	_ =	swait.ge [sflag:s25], $0x80  }
0x75: {  	[sflag:s25] =	ssyncset.done $0x0  }
0x76: {  	[sflag:s25] =	ssyncadd.s32 $0xFFFFFF80  }
0x77: {  	_ =	swait.ge [sflag:s0], $0x4000  }
0x78: {  	[sflag:s0] =	ssyncset.done $0x0  }
0x79: {  	[sflag:s0] =	ssyncadd.s32 $0xFFFFC000  }
0x7a: {  	[tilespmem:s26], [sflag:$0x4] =	stream.indirect.gather [hbm4b:s5+s23], $0x80, s21, s23, $0xb8;
	[tilespmem:$0x1E900] =	vst v63  }
0x7b: {  	_ =	swait.ge [sflag:s28], $0x4000  }
0x7c: {  	[sflag:s28] =	ssyncset.done $0x0  }
0x7d: {  	[sflag:s28] =	ssyncadd.s32 $0xFFFFC000  }
0x7e: {  	[tilespmem:s20], [sflag:$0x1] =	stream.linear.gather [hbm4b:s14+s4], $0x80, $0x38;
	[tilespmem:$0x1E900] =	vst v63  }
0x7f: {  	s6 =	simm.s32 $0x16700  }
0x80: {  	[spmem:s2] =	stream.indirect.scatter.add.f32 [tilespmem:s24], [sflag:$0x5], $0x80, s6, s23, $0xb8;
	[tilespmem:$0x1E900] =	vst v63  }
0x81: {  	_ =	swait.ge [sflag:s29], $0x4000  }
0x82: {  	[sflag:s29] =	ssyncset.done $0x0  }
0x83: {  	[sflag:s29] =	ssyncadd.s32 $0xFFFFC000  }
0x84: {  	[tilespmem:s21], [sflag:$0x2] =	stream.linear.gather [hbm4b:s14+s4], $0x80, $0x38;
	[tilespmem:$0x1E900] =	vst v63  }
0x85: {  	s13 =	simm.s32 $0x16780  }
0x86: {  	[spmem:s2] =	stream.indirect.scatter.add.f32 [tilespmem:s26], [sflag:$0x6], $0x80, s13, s23, $0xb8;
	[tilespmem:$0x1E900] =	vst v63  }
0x87: {  	_ =	swait.ge [sflag:s22], $0x80  }
0x88: {  	[sflag:s22] =	ssyncset.done $0x0  }
0x89: {  	[sflag:s22] =	ssyncadd.s32 $0xFFFFFF80  }
0x8a: {  	_ =	swait.ge [sflag:s31], $0x4000  }
0x8b: {  	[sflag:s31] =	ssyncset.done $0x0  }
0x8c: {  	[sflag:s31] =	ssyncadd.s32 $0xFFFFC000  }
0x8d: {  	_ =	swait.ge [sflag:s25], $0x80  }
0x8e: {  	[sflag:s25] =	ssyncset.done $0x0  }
0x8f: {  	[sflag:s25] =	ssyncadd.s32 $0xFFFFFF80  }
0x90: {  	_ =	swait.ge [sflag:s0], $0x4000  }
0x91: {  	[sflag:s0] =	ssyncset.done $0x0  }
0x92: {  	[sflag:s0] =	ssyncadd.s32 $0xFFFFC000  }
0x93: {  	[bflag:$0x0] =	sbarrier.arrive $0xFFFF  }
0x94: {  	[hbm:s15], [sflag:s8] =	dma.local [spmem:s17], $0x2800  }
0x95: {  	_ =	swait.ge [sflag:s18], $0x2800  }
0x96: {  	s3 =	sadd.s32 $0x1, s3;
	s30 =	rddreg [dreg:$0x8]  }
0x97: {  	p0 =	sne.s32 s3, s30  }
.Ltmp1:
0x98: {  	_ = 	snop;
	(pc) =	sbr.rel @p0 .LBB2_1-.Ltmp1, $3  }
0x99: {  	_ =	sdelay $0x1  }
0x9a: {  	[sflag:s18] =	ssyncset.done $0x0  }
0x9b: {  	[sflag:s18] =	ssyncadd.s32 $0xFFFFD800  }
0x9c: {  	_ =	sfence.sel $0x180000  }
0x9d: {  	[bflag:$0x0] =	sbarrier.arrive $0xFFFF  }
0x9e: {  	_ =	strace $0x9000004D  }
0x9f: {  	s0 =	stileid.u32;
	[bflag:$0x2] =	sbarrier.arrive $0xFFFF  }
0xa0: {  	p0 =	sne.s32 s0, $0x0;
	s0 =	rddreg [dreg:$0x4]  }
0xa1: {  	s0 =	sadd.s32 @!p0 $0x100000, s0  }
0xa2: {  	[sflag:s0] =	ssyncadd.tile.s32 @!p0 $0x1;
	_ =	shalt  }
.Lfunc_end2:
_tile_overlayer_lowered:
.L_overlay_start_2:
0xa3: {  	(tag) =	ssettag $0x2  }
0xa4: {  	s0 =	rddreg [dreg:$0x0];
	s2 =	stileid.u32  }
0xa5: {  	s1 =	rddreg [dreg:$0x1];
	p0 =	sne.s32 s2, $0x0  }
0xa6: {  	s3 =	rddreg [dreg:$0x2];
	[bflag:$0x3] =	sbarrier.arrive $0xFFFF;
	s2 =	simm.s32 @!p0 $0x1C07  }
0xa7: {  	[timem:s3], [sflag:s2] =	dma.local @!p0 [hbm:s0], s1  }
0xa8: {  	s0 =	simm.s32 @!p0 $0x7  }
0xa9: {  	_ =	swait.ge @!p0 [sflag:s0], s1  }
0xaa: {  	s1 =	ssub.s32 @!p0 $0x0, s1;
	[sflag:s0] =	ssyncset.done @!p0 $0x0  }
0xab: {  	[sflag:s0] =	ssyncadd.s32 @!p0 s1  }
0xac: {  	[bflag:$0x3] =	sbarrier.arrive $0xFFFF  }
0xad: {  	_ =	shalt  }

// kernel: kernel.8.cloned.1.call-start
scs
__scs_entry_jumppad:
0x0: {  	(pc) =	sbr.rel $0x88, $3  }
0x1: {  	(tag) =	ssettag $0x0;
	lr =	simm.s32 $0x1  }
0x2: {  	[smem:$0x3F99] =	sst lr;
	_ =	strace $0xD0000000  }
0x3: {  	_ = 	snop  }
0x4: {  	_ = 	snop  }
0x5: {  	_ = 	snop  }
0x6: {  	_ = 	snop  }
0x7: {  	_ = 	snop  }
__scs_overlays_trampoline_lowered:
0x8: {  	[smem:$0x3FA8] =	sst s0  }
0x9: {  	[smem:$0x3FA9] =	sst s1  }
0xa: {  	[smem:$0x3FAA] =	sst s2  }
0xb: {  	[smem:$0x3FAB] =	sst s3  }
0xc: {  	[smem:$0x3FAC] =	sst s4  }
0xd: {  	[smem:$0x3FAD] =	sst s5  }
0xe: {  	[smem:$0x3FAE] =	sst s6  }
0xf: {  	[smem:$0x3FAF] =	sst s7  }
0x10: {  	[smem:$0x3FB0] =	sst s8  }
0x11: {  	[smem:$0x3FB1] =	sst s9;
	s0 =	simm.s32 @!p0 $0x0  }
0x12: {  	s1 =	sld [smem:$0x3F97];
	s0 =	simm.s32 @p0 $0x1  }
0x13: {  	[smem:$0x3FB2] =	sst s0;
	s0 =	simm.s32 @!p1 $0x0  }
0x14: {  	s2 =	sld [smem:$0x3F96];
	s0 =	simm.s32 @p1 $0x1  }
0x15: {  	[smem:$0x3FB3] =	sst s0;
	s0 =	simm.s32 @!p2 $0x0  }
0x16: {  	s3 =	sld [smem:$0x3FDB];
	s0 =	simm.s32 @p2 $0x1  }
0x17: {  	s4 =	simm.s32 $0x1BF5;
	[smem:$0x3FB5] =	sst s0  }
0x18: {  	s0 =	sld [smem:$0x3F98];
	_ =	swait.ge [sflag:s4], $0x0  }
0x19: {  	s7 =	sld [smem:$0x3F99]  }
0x1a: {  	s8 =	sadd.s32 $0xFFFFE003, lr  }
0x1b: {  	s9 =	sadd.s32 $0xFFFFFEF7, lr;
	s5 =	simm.s32 $0xFFFFFFFF;
	p2 =	slt.u32 s8, $0xFFFFF086  }
0x1c: {  	p1 =	slt.u32 s9, $0xF7A;
	s5 =	simm.s32 @!p2 $0x0  }
0x1d: {  	s5 =	simm.s32 @p1 $0x1;
	p0 =	seq.s32 s7, s2  }
0x1e: {  	s7 =	smul.u32 @!p0 $0xF7A, s2;
	p2 =	seq.s32 @!p0 s5, $0x0  }
0x1f: {  	s9 =	smul.u32 $0xF7A, s1;
	s8 =	simm.s32 @!p0 $0x1BF5;
	p2 =	por !p2, p0  }
0x20: {  	[sflag:s8] =	ssyncset.s32 @!p0 $0xFFFFF086;
	s6 =	sadd.s32 @!p0 s3, s7;
	s7 =	simm.s32 @!p0 $0x108  }
0x21: {  	s3 =	sadd.s32 s3, s9;
	s6 =	sadd.s32 @!p0 $0x88, s6;
	s7 =	simm.s32 @p2 $0x1082  }
0x22: {  	[simem:s7], [sflag:s8] =	dma.local @!p0 [hbm:s6], $0xF7A  }
0x23: {  	s9 =	sor.u32 $0xD0000000, s2;
	s6 =	simm.s32 $0x108;
	_ =	swait.ge @!p0 [sflag:s8], $0x0  }
0x24: {  	s3 =	sadd.s32 $0x88, s3;
	s6 =	simm.s32 @!p1 $0x1082;
	[sflag:s4] =	ssyncset.s32 $0xFFFFF086  }
0x25: {  	[simem:s6], [sflag:s4] =	dma.local [hbm:s3], $0xF7A  }
0x26: {  	[smem:$0x3F99] =	sst s1;
	(tag) =	ssettag s2;
	_ =	strace s9  }
0x27: {  	s1 =	sld [smem:$0x3FA9]  }
0x28: {  	s2 =	sld [smem:$0x3FAA]  }
0x29: {  	s4 =	sld [smem:$0x3FAC]  }
0x2a: {  	p0 =	seq.s32 s5, $0x0;
	s5 =	sld [smem:$0x3FAD]  }
0x2b: {  	s6 =	sld [smem:$0x3FAE]  }
0x2c: {  	s7 =	sld [smem:$0x3FAF]  }
0x2d: {  	s3 =	simm.s32 $0x108;
	s8 =	sld [smem:$0x3FB0]  }
0x2e: {  	s3 =	simm.s32 @!p0 $0x1082;
	s9 =	sld [smem:$0x3FB1]  }
0x2f: {  	lr =	sadd.s32 s0, s3;
	s0 =	sld [smem:$0x3FA8]  }
0x30: {  	s3 =	sld [smem:$0x3FAB]  }
0x31: {  	[smem:$0x3FB4] =	sst s10  }
0x32: {  	s10 =	sld [smem:$0x3FB2];
	_ =	sdelay $0x3  }
0x33: {  	p0 =	seq.s32 s10, $0x1;
	s10 =	sld [smem:$0x3FB4];
	_ =	sdelay $0x3  }
0x34: {  	[smem:$0x3FB4] =	sst s10  }
0x35: {  	s10 =	sld [smem:$0x3FB3];
	_ =	sdelay $0x3  }
0x36: {  	p1 =	seq.s32 s10, $0x1;
	s10 =	sld [smem:$0x3FB4];
	_ =	sdelay $0x3  }
0x37: {  	[smem:$0x3FB4] =	sst s10  }
0x38: {  	s10 =	sld [smem:$0x3FB5]  }
0x39: {  	_ = 	snop;
	(pc) =	sbr.ind lr, $3  }
0x3a: {  	_ = 	snop  }
0x3b: {  	_ = 	snop  }
0x3c: {  	p2 =	seq.s32 s10, $0x1;
	s10 =	sld [smem:$0x3FB4]  }
0x3d: {  	_ =	shalt  }
0x3e: {  	_ =	shalt  }
0x3f: {  	_ =	shalt  }
0x40: {  	_ =	shalt  }
0x41: {  	_ =	shalt  }
0x42: {  	_ =	shalt  }
0x43: {  	_ =	shalt  }
0x44: {  	_ =	shalt  }
0x45: {  	_ =	shalt  }
0x46: {  	_ =	shalt  }
0x47: {  	_ =	shalt  }
0x48: {  	_ =	shalt  }
0x49: {  	_ =	shalt  }
0x4a: {  	_ =	shalt  }
0x4b: {  	_ =	shalt  }
0x4c: {  	_ =	shalt  }
0x4d: {  	_ =	shalt  }
0x4e: {  	_ =	shalt  }
0x4f: {  	_ =	shalt  }
0x50: {  	_ =	shalt  }
0x51: {  	_ =	shalt  }
0x52: {  	_ =	shalt  }
0x53: {  	_ =	shalt  }
0x54: {  	_ =	shalt  }
0x55: {  	_ =	shalt  }
0x56: {  	_ =	shalt  }
0x57: {  	_ =	shalt  }
0x58: {  	_ =	shalt  }
0x59: {  	_ =	shalt  }
0x5a: {  	_ =	shalt  }
0x5b: {  	_ =	shalt  }
0x5c: {  	_ =	shalt  }
0x5d: {  	_ =	shalt  }
0x5e: {  	_ =	shalt  }
0x5f: {  	_ =	shalt  }
0x60: {  	_ =	shalt  }
0x61: {  	_ =	shalt  }
0x62: {  	_ =	shalt  }
0x63: {  	_ =	shalt  }
0x64: {  	_ =	shalt  }
0x65: {  	_ =	shalt  }
0x66: {  	_ =	shalt  }
0x67: {  	_ =	shalt  }
0x68: {  	_ =	shalt  }
0x69: {  	_ =	shalt  }
0x6a: {  	_ =	shalt  }
0x6b: {  	_ =	shalt  }
0x6c: {  	_ =	shalt  }
0x6d: {  	_ =	shalt  }
0x6e: {  	_ =	shalt  }
0x6f: {  	_ =	shalt  }
0x70: {  	_ =	shalt  }
0x71: {  	_ =	shalt  }
0x72: {  	_ =	shalt  }
0x73: {  	_ =	shalt  }
0x74: {  	_ =	shalt  }
0x75: {  	_ =	shalt  }
0x76: {  	_ =	shalt  }
0x77: {  	_ =	shalt  }
0x78: {  	_ =	shalt  }
0x79: {  	_ =	shalt  }
0x7a: {  	_ =	shalt  }
0x7b: {  	_ =	shalt  }
0x7c: {  	_ =	shalt  }
0x7d: {  	_ =	shalt  }
0x7e: {  	_ =	shalt  }
0x7f: {  	_ =	shalt  }
0x80: {  	_ =	shalt  }
0x81: {  	_ =	shalt  }
0x82: {  	_ =	shalt  }
0x83: {  	_ =	shalt  }
0x84: {  	_ =	shalt  }
0x85: {  	_ =	shalt  }
0x86: {  	_ =	shalt  }
0x87: {  	_ =	shalt  }
.Lfunc_end0:
.L_simem_size_0:
called_computation_lowered:
.L_overlay_start_0:
0x88: {  	s2 =	sld [smem:$0x3FD9]  }
0x89: {  	s3 =	sld [smem:$0x3FFE];
	_ =	sdelay $0x1  }
0x8a: {  	s1 =	srdreg.scid  }
0x8b: {  	s0 =	sand.u32 $0x1, s1  }
0x8c: {  	s14 =	sshll.u32 s0, $0xA;
	s2 =	sadd.s32 s3, s2  }
0x8d: {  	s2 =	sadd.s32 s2, s14  }
0x8e: {  	[smem:$0x3FC0] =	sst s2  }
0x8f: {  	_ = 	snop  }
0x90: {  	s2 =	sld [smem:$0x3FD0];
	_ =	sdelay $0x2  }
0x91: {  	s15 =	simm.s32 $0xA;
	s4 =	simm.s32 $0x10  }
0x92: {  	[smem:s4], [sflag:s15] =	dma.local [hbm:s2], $0x1  }
0x93: {  	_ =	swait.eq [sflag:s15], $0x1  }
0x94: {  	[sflag:s15] =	ssyncset.done $0x0  }
0x95: {  	[sflag:s15] =	ssyncadd.s32 $0xFFFFFFFF  }
0x96: {  	s16 =	sld [smem:$0x11];
	(tm) =	ssettm $0x1  }
0x97: {  	s17 =	sld [smem:$0x3FFB];
	_ =	sdelay $0x3  }
0x98: {  	_ =	strace s17  }
0x99: {  	s3 =	sld [smem:$0x3FFC];
	_ =	sdelay $0x3  }
0x9a: {  	_ =	strace s3  }
0x9b: {  	s3 =	sld [smem:$0x3FFD];
	_ =	sdelay $0x3  }
0x9c: {  	_ =	strace s3  }
0x9d: {  	_ =	strace $0x8FFFFFFF  }
0x9e: {  	s18 =	sld [smem:$0x3FDB];
	_ =	sdelay $0x1  }
0x9f: {  	s19 =	simm.s32 $_scs_section_size  }
0xa0: {  	s5 =	simm.s32 $_size__tile_overlayer_lowered;
	s6 =	simm.s32 $_tile_overlayer_lowered  }
0xa1: {  	s22 =	simm.s32 $0x1BFF;
	s21 =	sshll.u32 s6, $0x1;
	s3 =	sadd.s32 s19, s18  }
0xa2: {  	s7 =	simm.s32 $0x0;
	s20 =	sshll.u32 s5, $0x1;
	s5 =	sadd.s32 s21, s3  }
0xa3: {  	[timem:s7], [sflag:s22] =	dma.local [hbm:s5], s20  }
0xa4: {  	_ =	swait.ge [sflag:s22], s20  }
0xa5: {  	s4 =	ssub.s32 $0x0, s20;
	[sflag:s22] =	ssyncset.done $0x0  }
0xa6: {  	[sflag:s22] =	ssyncadd.s32 s4;
	_ =	sdelay $0x1  }
0xa7: {  	s23 =	simm.s32 $0x1B8B  }
0xa8: {  	_ =	swait.ge [sflag:s23], $0x1  }
0xa9: {  	[sflag:s23] =	ssyncset.done $0x0  }
0xaa: {  	s25 =	simm.s32 $0x1B8E;
	s24 =	sld [smem:$0x3FFE];
	[sflag:s23] =	ssyncadd.s32 $0xFFFFFFFF  }
0xab: {  	s26 =	simm.s32 $execute0_lowered;
	[smem:$0x3FD2] =	sst s25  }
0xac: {  	s5 =	sshll.u32 s26, $0x1;
	_ =	strace $0x80000046;
	[dreg:$0x1] =	wrdreg $0xFFFFFFFF  }
0xad: {  	s28 =	simm.s32 $_size_execute0_lowered;
	s3 =	sadd.s32 s3, s5;
	[dreg:$0x0] =	wrdreg $0x0  }
0xae: {  	s5 =	sshll.u32 s28, $0x1;
	[dreg:$0x2] =	wrdreg s3  }
0xaf: {  	[dreg:$0x3] =	wrdreg s5  }
0xb0: {  	[dreg:$0x4] =	wrdreg $0xC0  }
0xb1: {  	_ =	task [dreg:s7], $0x5FFFF  }
0xb2: {  	[dreg:$0x1] =	wrdreg $0xFFFFFFFF  }
0xb3: {  	[dreg:$0x0] =	wrdreg $0x60  }
0xb4: {  	[dreg:$0x2] =	wrdreg s16  }
0xb5: {  	[dreg:$0x3] =	wrdreg s24  }
0xb6: {  	[dreg:$0x4] =	wrdreg $0x0  }
0xb7: {  	[dreg:$0x5] =	wrdreg $0x9  }
0xb8: {  	_ =	task.clear_ibuf [dreg:s7], $0x6FFFF;
	_ =	strace $0x90000046  }
0xb9: {  	s29 =	simm.s32 $0x9;
	_ =	strace $0x80000048  }
0xba: {  	_ =	swait.ge [sflag:s29], $0x1  }
0xbb: {  	[sflag:s29] =	ssyncadd.s32 $0xFFFFFFFF  }
0xbc: {  	_ =	strace $0x90000048  }
0xbd: {  	_ =	sfence  }
0xbe: {  	s30 =	sld [smem:$0x0];
	_ =	sdelay $0x2  }
0xbf: {  	s31 =	sshll.u32 s1, $0xD;
	s1 =	sshrl.u32 s1, $0x2  }
0xc0: {  	s3 =	sand.u32 $0x4000, s31;
	s1 =	sadd.s32 s1, s30  }
0xc1: {  	s0 =	sor.u32 s3, s0;
	s1 =	sshll.u32 s1, $0x11  }
0xc2: {  	s0 =	sor.u32 s1, s0  }
0xc3: {  	s0 =	sadd.s32 $0x8F2B, s0  }
0xc4: {  	[sflag:s0] =	ssyncadd.remote.s32 $0x1  }
0xc5: {  	_ =	sfence.sel $0xFFFF  }
0xc6: {  	[dreg:$0x0] =	wrdreg $0xFFFFFFFF;
	(pc) =	sbr.abs _section_cstart, $3  }
0xc7: {  	[dreg:$0x1] =	wrdreg $0xFFFFFFFF  }
0xc8: {  	_ =	task.clear_ibuf [dreg:s7], $0x2FFFF;
	_ =	strace $0x9FFFFFFF  }
0xc9: {  	(tm) =	ssettm $0x7FFFFFFF  }
tec
execute0_lowered:
.L_overlay_start_1:
0x0: {  	(tag) =	ssettag $0x1  }
0x1: {  	s6 =	rddreg [dreg:$0x0]  }
0x2: {  	s4 =	rddreg [dreg:$0x1]  }
0x3: {  	s2 =	rddreg [dreg:$0x2]  }
0x4: {  	s0 =	rddreg [dreg:$0x3];
	s3 =	simm.s32 $0x0;
	s1 =	stileid.u32  }
0x5: {  	s5 =	srdreg.scid;
	s12 =	simm.s32 $0x5000;
	s13 =	simm.s32 $0x2A80  }
0x6: {  	s14 =	simm.s32 $0x1;
	s15 =	simm.s32 $0x0;
	[smem:$0x7FF] =	sst s3  }
0x7: {  	s7 =	smul.u32 $0x280, s1;
	s5 =	sand.u32 $0x1, s5;
	s31 =	sshll.u32 s1, $0x6  }
0x8: {  	_ =	strace $0x80000047;
	s8 =	ssub.s32 $0x2, s5;
	s11 =	sshll.u32 s5, $0x4  }
0x9: {  	p0 =	seq.s32 s5, $0x1;
	s5 =	sor.u32 $0x1C02, s31;
	s9 =	sshrl.u32 s7, $0x3  }
0xa: {  	s10 =	sshrl.u32 s8, $0x1;
	s28 =	sor.u32 s1, s11;
	s29 =	sadd.s32 s7, s2  }
0xb: {  	s12 =	simm.s32 @!p0 $0x4A00;
	s11 =	simm.s32 $0x280;
	s9 =	sadd.s32 s9, s4  }
0xc: {  	s8 =	ssub.s32 s8, s10;
	s30 =	smul.u32 $0x500, s28;
	s10 =	simm.s32 $0x2  }
0xd: {  	s4 =	sadd.s32 $0x4400, s9;
	s7 =	smax.u32 s8, $0x1;
	s8 =	sadd.s32 s12, s9  }
0xe: {  	v0 =	vimm.f32 $1.000000000e+00;
	s9 =	sshrl.u32 s29, $0x3;
	s12 =	simm.s32 $0x80;
	s6 =	sadd.s32 s6, s30  }
.LBB2_1:
0xf: {  	[spmem:s9], [sflag:s5] =	dma.local [hbm:s4], $0x50  }
0x10: {  	_ =	swait.ge [sflag:s10], $0x50  }
0x11: {  	[sflag:s10] =	ssyncset.done $0x0  }
0x12: {  	[sflag:s10] =	ssyncadd.s32 $0xFFFFFFB0  }
0x13: {  	[tilespmem:s11], [sflag:$0x2] =	stream.linear.gather [hbm4b:s6+s3], $0x2800, $0x38;
	[tilespmem:$0x2B00] =	vst v63  }
0x14: {  	_ =	swait.ge [sflag:s10], $0x2800  }
0x15: {  	[sflag:s10] =	ssyncset.done $0x0  }
0x16: {  	[sflag:s10] =	ssyncadd.s32 $0xFFFFD800  }
0x17: {  	[tilespmem:$0x2A80] =	vst v0  }
0x18: {  	[tilespmem:$0x2A90] =	vst v0  }
0x19: {  	[tilespmem:$0x2AA0] =	vst v0  }
0x1a: {  	[tilespmem:$0x2AB0] =	vst v0  }
0x1b: {  	[tilespmem:$0x2AC0] =	vst v0  }
0x1c: {  	[tilespmem:$0x2AD0] =	vst v0  }
0x1d: {  	[tilespmem:$0x2AE0] =	vst v0  }
0x1e: {  	[tilespmem:$0x2AF0] =	vst v0  }
0x1f: {  	s16 =	simm.s32 $0x0;
	[bflag:$0x0] =	sbarrier.arrive $0xFFFF  }
.LBB2_2:
0x20: {  	p0 =	sne.s32 s16, $0x9E00  }
.Ltmp0:
0x21: {  	_ = 	snop;
	(pc) =	sbr.rel @p0 .LBB2_2-.Ltmp0, $4  }
0x22: {  	_ = 	snop  }
0x23: {  	s17 =	sshra.s32 s16, $0x2  }
0x24: {  	s16 =	sadd.s32 $0x200, s16;
	s17 =	sadd.s32 $0x280, s17  }
0x25: {  	[spmem:s2] =	stream.indirect.scatter.add.f32 [tilespmem:s13], [sflag:$0x1], $0x1, s17, s12, $0xb8;
	[tilespmem:$0x2B00] =	vst v63  }
0x26: {  	_ =	swait.ge [sflag:s14], $0x80  }
0x27: {  	s16 =	simm.s32 $0x4F;
	[sflag:s14] =	ssyncset.done $0x0  }
.LBB2_4:
0x28: {  	p0 =	sne.s32 s16, $0x1;
	s16 =	sadd.s32 $0xFFFFFFFF, s16;
	[sflag:s14] =	ssyncadd.s32 $0xFFFFFF80  }
.Ltmp1:
0x29: {  	(pc) =	sbr.rel @p0 .LBB2_4-.Ltmp1, $3  }
0x2a: {  	_ =	sdelay $0x1  }
0x2b: {  	_ =	swait.ge [sflag:s14], $0x80  }
0x2c: {  	[sflag:s14] =	ssyncset.done $0x0  }
0x2d: {  	s15 =	sadd.s32 $0x1, s15  }
0x2e: {  	[sflag:s14] =	ssyncadd.s32 $0xFFFFFF80;
	p0 =	sne.s32 s15, s7  }
.Ltmp2:
0x2f: {  	[bflag:$0x0] =	sbarrier.arrive $0xFFFF;
	(pc) =	sbr.rel @p0 .LBB2_1-.Ltmp2, $4  }
0x30: {  	[hbm:s8], [sflag:s5] =	dma.local [spmem:s9], $0x50  }
0x31: {  	_ =	swait.ge [sflag:s10], $0x50  }
0x32: {  	[sflag:s10] =	ssyncset.done $0x0  }
0x33: {  	[sflag:s10] =	ssyncadd.s32 $0xFFFFFFB0  }
0x34: {  	_ =	sfence.sel $0x180000  }
0x35: {  	[bflag:$0x0] =	sbarrier.arrive $0xFFFF  }
0x36: {  	p0 =	sne.s32 s1, $0x0;
	_ =	strace $0x90000047  }
0x37: {  	s0 =	sadd.s32 @!p0 $0x100000, s0;
	[bflag:$0x2] =	sbarrier.arrive $0xFFFF  }
0x38: {  	[sflag:s0] =	ssyncadd.tile.s32 @!p0 $0x1;
	_ =	shalt  }
.Lfunc_end2:
_tile_overlayer_lowered:
.L_overlay_start_2:
0x39: {  	(tag) =	ssettag $0x2  }
0x3a: {  	s0 =	rddreg [dreg:$0x0];
	s2 =	stileid.u32  }
0x3b: {  	s1 =	rddreg [dreg:$0x1];
	p0 =	sne.s32 s2, $0x0  }
0x3c: {  	s3 =	rddreg [dreg:$0x2];
	[bflag:$0x3] =	sbarrier.arrive $0xFFFF;
	s2 =	simm.s32 @!p0 $0x1C02  }
0x3d: {  	[timem:s3], [sflag:s2] =	dma.local @!p0 [hbm:s0], s1  }
0x3e: {  	s0 =	simm.s32 @!p0 $0x2  }
0x3f: {  	_ =	swait.ge @!p0 [sflag:s0], s1  }
0x40: {  	s1 =	ssub.s32 @!p0 $0x0, s1;
	[sflag:s0] =	ssyncset.done @!p0 $0x0  }
0x41: {  	[sflag:s0] =	ssyncadd.s32 @!p0 s1  }
0x42: {  	[bflag:$0x3] =	sbarrier.arrive $0xFFFF  }
0x43: {  	_ =	shalt  }

</sc_bundles>
